<compile_context>
chip_gen: v7x
topology: tpu7x:2x2x1
jax: 0.10.2.dev20260603
libtpu: 0.0.44.dev20260713+nightly
codegen_flags: <defaults>
</compile_context>

<pallas_src>
import jax
import jax.numpy as jnp
from jax import lax
from jax.experimental import pallas as pl
from jax.experimental.pallas import tpu as pltpu
from jax.experimental.pallas import tpu_sc as plsc

NODE_SIZE = 100000
EMBED_SIZE = 128
BATCH = 16384

L = 16
NW = 32
B_PER_W = BATCH // NW
CHUNK = 128
CHUNKS = (128, 128, 128, 128)
NBUF = 3
UNROLL = 4

_LOG1P_COEF = (
    1.446112683e-03, -1.027147447e-02, 3.423174471e-02, -7.301764925e-02,
    1.166124657e-01, -1.571737904e-01, 1.976391457e-01, -2.496172750e-01,
    3.332960370e-01, -4.999980978e-01, 9.999999616e-01, 0.0,
)


def _log1p_poly(u):
    acc = jnp.full((L,), _LOG1P_COEF[0], dtype=jnp.float32)
    for c in _LOG1P_COEF[1:]:
        acc = acc * u + c
    return acc


def _sc_kernel(a_hbm, b_hbm, sign_hbm, emb_hbm, ctx_hbm, out_hbm,
               idx_a, idx_b, sign_v, dots, rows, sems, sem_i, sem_s):
    wid = lax.axis_index("s") * 2 + lax.axis_index("c")
    base = wid * B_PER_W

    cp_ia = pltpu.async_copy(a_hbm.at[pl.ds(base, B_PER_W)], idx_a, sem_i)
    cp_ib = pltpu.async_copy(b_hbm.at[pl.ds(base, B_PER_W)], idx_b, sem_i)
    cp_sg = pltpu.async_copy(sign_hbm.at[pl.ds(base, B_PER_W)], sign_v, sem_s)
    cp_ia.wait()
    cp_ib.wait()

    lane = lax.iota(jnp.int32, L)
    perms = {h: lane ^ h for h in (8, 4, 2, 1)}
    mask0 = lane == 0

    offs = []
    o = 0
    for n in CHUNKS:
        offs.append(o)
        o += n

    def start(c):
        s = c % NBUF
        n, off = CHUNKS[c], offs[c]
        cp_a = pltpu.async_copy(
            emb_hbm.at[idx_a.at[pl.ds(off, n)]],
            rows[2 * s].at[pl.ds(0, n)], sems[2 * s])
        cp_b = pltpu.async_copy(
            ctx_hbm.at[idx_b.at[pl.ds(off, n)]],
            rows[2 * s + 1].at[pl.ds(0, n)], sems[2 * s + 1])
        return cp_a, cp_b

    inflight = [start(c) for c in range(NBUF - 1)]
    for c in range(len(CHUNKS)):
        s = c % NBUF
        arows, brows = rows[2 * s], rows[2 * s + 1]
        cp_a, cp_b = inflight.pop(0)
        cp_a.wait()
        cp_b.wait()
        if c + NBUF - 1 < len(CHUNKS):
            inflight.append(start(c + NBUF - 1))

        @plsc.parallel_loop(0, CHUNKS[c], unroll=UNROLL)
        def _dot_body(r, c=c, arows=arows, brows=brows):
            acc0 = (arows[r, pl.ds(0, L)] * brows[r, pl.ds(0, L)])
            acc1 = (arows[r, pl.ds(L, L)] * brows[r, pl.ds(L, L)])
            for j in range(2, EMBED_SIZE // L, 2):
                acc0 = acc0 + arows[r, pl.ds(j * L, L)] * brows[r, pl.ds(j * L, L)]
                acc1 = acc1 + arows[r, pl.ds((j + 1) * L, L)] * brows[r, pl.ds((j + 1) * L, L)]
            v = acc0 + acc1
            for h in (8, 4, 2, 1):
                v = v + jnp.take(v, perms[h])
            plsc.store_scatter(dots, [jnp.full((L,), offs[c] + r, jnp.int32)],
                               v, mask=mask0)

    cp_sg.wait()

    @plsc.parallel_loop(0, B_PER_W // L, unroll=4)
    def _loss_body(i):
        off = pl.multiple_of(i * L, L)
        t = sign_v[pl.ds(off, L)] * dots[pl.ds(off, L)]
        u = jnp.exp(-jnp.abs(t))
        dots[pl.ds(off, L)] = jnp.maximum(-t, 0.0) + _log1p_poly(u)

    pltpu.sync_copy(dots, out_hbm.at[pl.ds(base, B_PER_W)])


@jax.jit
def _run(a1, b1, sign, emb_table, ctx_table):
    mesh = plsc.VectorSubcoreMesh(core_axis_name="c", subcore_axis_name="s")
    f = pl.kernel(
        _sc_kernel,
        mesh=mesh,
        compiler_params=pltpu.CompilerParams(needs_layout_passes=False),
        out_type=jax.ShapeDtypeStruct((BATCH,), jnp.float32),
        scratch_types=[
            pltpu.VMEM((B_PER_W,), jnp.int32),
            pltpu.VMEM((B_PER_W,), jnp.int32),
            pltpu.VMEM((B_PER_W,), jnp.float32),
            pltpu.VMEM((B_PER_W,), jnp.float32),
            [pltpu.VMEM((CHUNK, EMBED_SIZE), jnp.float32)
             for _ in range(2 * NBUF)],
            [pltpu.SemaphoreType.DMA for _ in range(2 * NBUF)],
            pltpu.SemaphoreType.DMA,
            pltpu.SemaphoreType.DMA,
        ],
    )
    return f(a1, b1, sign, emb_table, ctx_table)


def kernel(a, b, sign, emb_table, ctx_table):
    return _run(a, b, sign, emb_table, ctx_table)

# --- scband reference (transcript-rebuilt; emitter-appended) ---
"""Pipeline reference for scband-line-24739011624988 (READ-ONLY COPY).

The authoritative reference and input builder live on the scoring server;
editing this copy changes nothing except your own understanding.
"""

import jax, jax.numpy as jnp
import numpy as np

NODE_SIZE = 100000
EMBED_SIZE = 128
BATCH = 16384

def setup_inputs(seed: int = 0) -> dict:
    key = jax.random.key(seed)
    k1, k2, k3, k4 = jax.random.split(key, 4)
    a = jax.random.randint(k1, (BATCH,), 0, NODE_SIZE, dtype=jnp.int64 if jax.config.jax_enable_x64 else jnp.int32).astype(jnp.int32)
    b = jax.random.randint(k2, (BATCH,), 0, NODE_SIZE, dtype=jnp.int64 if jax.config.jax_enable_x64 else jnp.int32).astype(jnp.int32)
    sign = jnp.ones((BATCH,), dtype=jnp.float32)
    # learned parameters: node embedding table and context embedding table
    emb_table = jax.random.normal(k3, (NODE_SIZE, EMBED_SIZE), dtype=jnp.float32) * 0.05
    ctx_table = jax.random.normal(k4, (NODE_SIZE, EMBED_SIZE), dtype=jnp.float32) * 0.05
    return {"a": a, "b": b, "sign": sign, "emb_table": emb_table, "ctx_table": ctx_table}

def reference(a, b, sign, emb_table, ctx_table):
    # order == 2 path of LINE.train_step:
    #   a_ = embeddings(a); b_ = context_embeddings(b)
    #   loss = -log_sigmoid(sign * sum(a_ * b_, axis=1))
    a_ = jnp.take(emb_table, a, axis=0)
    b_ = jnp.take(ctx_table, b, axis=0)
    dot = jnp.sum(a_ * b_, axis=1)
    loss = -jax.nn.log_sigmoid(sign * dot)
    return loss

if __name__ == "__main__":
    import jax
    _d = setup_inputs()
    print(jax.jit(kernel)(*tuple(_d.values())))

</pallas_src>

<mosaic_0001>
#map = affine_map<(d0, d1) -> (0)>
#map1 = affine_map<(d0, d1) -> (0, 0)>
module attributes {stable_mosaic.version = 14 : i64} {
  func.func @_sc_kernel(%arg0: i32, %arg1: i32, %arg2: memref<16384xi32, #tpu.memory_space<hbm>>, %arg3: memref<16384xi32, #tpu.memory_space<hbm>>, %arg4: memref<16384xf32, #tpu.memory_space<hbm>>, %arg5: memref<100000x128xf32, #tpu.memory_space<hbm>>, %arg6: memref<100000x128xf32, #tpu.memory_space<hbm>>, %arg7: memref<16384xf32, #tpu.memory_space<hbm>>, %arg8: memref<512xi32, #tpu.memory_space<vmem>>, %arg9: memref<512xi32, #tpu.memory_space<vmem>>, %arg10: memref<512xf32, #tpu.memory_space<vmem>>, %arg11: memref<512xf32, #tpu.memory_space<vmem>>, %arg12: memref<128x128xf32, #tpu.memory_space<vmem>>, %arg13: memref<128x128xf32, #tpu.memory_space<vmem>>, %arg14: memref<128x128xf32, #tpu.memory_space<vmem>>, %arg15: memref<128x128xf32, #tpu.memory_space<vmem>>, %arg16: memref<128x128xf32, #tpu.memory_space<vmem>>, %arg17: memref<128x128xf32, #tpu.memory_space<vmem>>, %arg18: memref<!tpu.dma_semaphore, #tpu.memory_space<semaphore_mem>>, %arg19: memref<!tpu.dma_semaphore, #tpu.memory_space<semaphore_mem>>, %arg20: memref<!tpu.dma_semaphore, #tpu.memory_space<semaphore_mem>>, %arg21: memref<!tpu.dma_semaphore, #tpu.memory_space<semaphore_mem>>, %arg22: memref<!tpu.dma_semaphore, #tpu.memory_space<semaphore_mem>>, %arg23: memref<!tpu.dma_semaphore, #tpu.memory_space<semaphore_mem>>, %arg24: memref<!tpu.dma_semaphore, #tpu.memory_space<semaphore_mem>>, %arg25: memref<!tpu.dma_semaphore, #tpu.memory_space<semaphore_mem>>) attributes {dimension_semantics = [#tpu.dimension_semantics<core_parallel>, #tpu.dimension_semantics<subcore_parallel>], iteration_bounds = array<i64: 2, 16>, scalar_prefetch = 0 : i64, scratch_operands = 18 : i64, tpu.core_type = #tpu.core_type<sc_vector_subcore>, window_params = [{transform_indices = #map}, {transform_indices = #map}, {transform_indices = #map}, {transform_indices = #map1}, {transform_indices = #map1}, {transform_indices = #map}]} {
    %mul3A = arith.constant 2 : i32
    %mul3A_0 = arith.muli %arg1, %mul3A : i32
    %add3A = arith.addi %mul3A_0, %arg0 : i32
    %mul3A_1 = arith.constant 512 : i32
    %mul3A_2 = arith.muli %add3A, %mul3A_1 : i32
    %dma_start3A = tpu.memref_slice %arg2[%mul3A_2] : memref<16384xi32, #tpu.memory_space<hbm>> -> memref<512xi32, #tpu.memory_space<hbm>>
    %dma_start3A_3 = tpu.memref_slice %arg2[%mul3A_2] : memref<16384xi32, #tpu.memory_space<hbm>> -> memref<512xi32, #tpu.memory_space<hbm>>
    tpu.enqueue_dma source(%dma_start3A_3 : memref<512xi32, #tpu.memory_space<hbm>>) target(%arg8 : memref<512xi32, #tpu.memory_space<vmem>>) target_semaphore(%arg24 : memref<!tpu.dma_semaphore, #tpu.memory_space<semaphore_mem>>)
    %dma_start3A_4 = tpu.memref_slice %arg3[%mul3A_2] : memref<16384xi32, #tpu.memory_space<hbm>> -> memref<512xi32, #tpu.memory_space<hbm>>
    %dma_start3A_5 = tpu.memref_slice %arg3[%mul3A_2] : memref<16384xi32, #tpu.memory_space<hbm>> -> memref<512xi32, #tpu.memory_space<hbm>>
    tpu.enqueue_dma source(%dma_start3A_5 : memref<512xi32, #tpu.memory_space<hbm>>) target(%arg9 : memref<512xi32, #tpu.memory_space<vmem>>) target_semaphore(%arg24 : memref<!tpu.dma_semaphore, #tpu.memory_space<semaphore_mem>>)
    %dma_start3A_6 = tpu.memref_slice %arg4[%mul3A_2] : memref<16384xf32, #tpu.memory_space<hbm>> -> memref<512xf32, #tpu.memory_space<hbm>>
    %dma_start3A_7 = tpu.memref_slice %arg4[%mul3A_2] : memref<16384xf32, #tpu.memory_space<hbm>> -> memref<512xf32, #tpu.memory_space<hbm>>
    tpu.enqueue_dma source(%dma_start3A_7 : memref<512xf32, #tpu.memory_space<hbm>>) target(%arg10 : memref<512xf32, #tpu.memory_space<vmem>>) target_semaphore(%arg25 : memref<!tpu.dma_semaphore, #tpu.memory_space<semaphore_mem>>)
    %dma_wait3A = tpu.memref_slice %arg2[%mul3A_2] : memref<16384xi32, #tpu.memory_space<hbm>> -> memref<512xi32, #tpu.memory_space<hbm>>
    %dma_wait3A_8 = tpu.memref_slice %arg2[%mul3A_2] : memref<16384xi32, #tpu.memory_space<hbm>> -> memref<512xi32, #tpu.memory_space<hbm>>
    tpu.wait_dma2 semaphore(%arg24 : memref<!tpu.dma_semaphore, #tpu.memory_space<semaphore_mem>>) src(%dma_wait3A_8 : memref<512xi32, #tpu.memory_space<hbm>>) dst(%arg8 : memref<512xi32, #tpu.memory_space<vmem>>)
    %dma_wait3A_9 = tpu.memref_slice %arg3[%mul3A_2] : memref<16384xi32, #tpu.memory_space<hbm>> -> memref<512xi32, #tpu.memory_space<hbm>>
    %dma_wait3A_10 = tpu.memref_slice %arg3[%mul3A_2] : memref<16384xi32, #tpu.memory_space<hbm>> -> memref<512xi32, #tpu.memory_space<hbm>>
    tpu.wait_dma2 semaphore(%arg24 : memref<!tpu.dma_semaphore, #tpu.memory_space<semaphore_mem>>) src(%dma_wait3A_10 : memref<512xi32, #tpu.memory_space<hbm>>) dst(%arg9 : memref<512xi32, #tpu.memory_space<vmem>>)
    %iota3A = tpu.iota {dimensions = array<i32: 0>} : vector<16xi32>
    %xor3A = arith.constant 8 : i32
    %xor3A_11 = vector.broadcast %xor3A : i32 to vector<16xi32>
    %xor3A_12 = arith.xori %iota3A, %xor3A_11 : vector<16xi32>
    %xor3A_13 = arith.constant 4 : i32
    %xor3A_14 = vector.broadcast %xor3A_13 : i32 to vector<16xi32>
    %xor3A_15 = arith.xori %iota3A, %xor3A_14 : vector<16xi32>
    %xor3A_16 = arith.constant 2 : i32
    %xor3A_17 = vector.broadcast %xor3A_16 : i32 to vector<16xi32>
    %xor3A_18 = arith.xori %iota3A, %xor3A_17 : vector<16xi32>
    %xor3A_19 = arith.constant 1 : i32
    %xor3A_20 = vector.broadcast %xor3A_19 : i32 to vector<16xi32>
    %xor3A_21 = arith.xori %iota3A, %xor3A_20 : vector<16xi32>
    %eq3A = arith.constant 0 : i32
    %eq3A_22 = vector.broadcast %eq3A : i32 to vector<16xi32>
    %eq3A_23 = arith.cmpi eq, %iota3A, %eq3A_22 : vector<16xi32>
    %dma_start3A_24 = arith.constant 0 : i32
    %dma_start3A_25 = arith.constant 0 : i32
    %dma_start3A_26 = tpu.memref_slice %arg12[%dma_start3A_24, %dma_start3A_25] : memref<128x128xf32, #tpu.memory_space<vmem>> -> memref<128x128xf32, #tpu.memory_space<vmem>>
    %dma_start3A_27 = arith.constant 0 : i32
    %dma_start3A_28 = tpu.memref_slice %arg8[%dma_start3A_27] : memref<512xi32, #tpu.memory_space<vmem>> -> memref<128xi32, #tpu.memory_space<vmem>>
    %dma_start3A_29 = arith.constant 0 : i32
    %dma_start3A_30 = arith.constant 0 : i32
    %dma_start3A_31 = tpu.memref_slice %arg5[%dma_start3A_29, %dma_start3A_30] : memref<100000x128xf32, #tpu.memory_space<hbm>> -> memref<100000x128xf32, #tpu.memory_space<hbm>>
    tpu.enqueue_indirect_dma source(%dma_start3A_31 : memref<100000x128xf32, #tpu.memory_space<hbm>>) target(%dma_start3A_26 : memref<128x128xf32, #tpu.memory_space<vmem>>) offsets(%dma_start3A_28 : memref<128xi32, #tpu.memory_space<vmem>>) semaphore(%arg18 : memref<!tpu.dma_semaphore, #tpu.memory_space<semaphore_mem>>)
    %dma_start3A_32 = arith.constant 0 : i32
    %dma_start3A_33 = arith.constant 0 : i32
    %dma_start3A_34 = tpu.memref_slice %arg13[%dma_start3A_32, %dma_start3A_33] : memref<128x128xf32, #tpu.memory_space<vmem>> -> memref<128x128xf32, #tpu.memory_space<vmem>>
    %dma_start3A_35 = arith.constant 0 : i32
    %dma_start3A_36 = tpu.memref_slice %arg9[%dma_start3A_35] : memref<512xi32, #tpu.memory_space<vmem>> -> memref<128xi32, #tpu.memory_space<vmem>>
    %dma_start3A_37 = arith.constant 0 : i32
    %dma_start3A_38 = arith.constant 0 : i32
    %dma_start3A_39 = tpu.memref_slice %arg6[%dma_start3A_37, %dma_start3A_38] : memref<100000x128xf32, #tpu.memory_space<hbm>> -> memref<100000x128xf32, #tpu.memory_space<hbm>>
    tpu.enqueue_indirect_dma source(%dma_start3A_39 : memref<100000x128xf32, #tpu.memory_space<hbm>>) target(%dma_start3A_34 : memref<128x128xf32, #tpu.memory_space<vmem>>) offsets(%dma_start3A_36 : memref<128xi32, #tpu.memory_space<vmem>>) semaphore(%arg19 : memref<!tpu.dma_semaphore, #tpu.memory_space<semaphore_mem>>)
    %dma_start3A_40 = arith.constant 0 : i32
    %dma_start3A_41 = arith.constant 0 : i32
    %dma_start3A_42 = tpu.memref_slice %arg14[%dma_start3A_40, %dma_start3A_41] : memref<128x128xf32, #tpu.memory_space<vmem>> -> memref<128x128xf32, #tpu.memory_space<vmem>>
    %dma_start3A_43 = arith.constant 128 : i32
    %dma_start3A_44 = tpu.memref_slice %arg8[%dma_start3A_43] : memref<512xi32, #tpu.memory_space<vmem>> -> memref<128xi32, #tpu.memory_space<vmem>>
    %dma_start3A_45 = arith.constant 0 : i32
    %dma_start3A_46 = arith.constant 0 : i32
    %dma_start3A_47 = tpu.memref_slice %arg5[%dma_start3A_45, %dma_start3A_46] : memref<100000x128xf32, #tpu.memory_space<hbm>> -> memref<100000x128xf32, #tpu.memory_space<hbm>>
    tpu.enqueue_indirect_dma source(%dma_start3A_47 : memref<100000x128xf32, #tpu.memory_space<hbm>>) target(%dma_start3A_42 : memref<128x128xf32, #tpu.memory_space<vmem>>) offsets(%dma_start3A_44 : memref<128xi32, #tpu.memory_space<vmem>>) semaphore(%arg20 : memref<!tpu.dma_semaphore, #tpu.memory_space<semaphore_mem>>)
    %dma_start3A_48 = arith.constant 0 : i32
    %dma_start3A_49 = arith.constant 0 : i32
    %dma_start3A_50 = tpu.memref_slice %arg15[%dma_start3A_48, %dma_start3A_49] : memref<128x128xf32, #tpu.memory_space<vmem>> -> memref<128x128xf32, #tpu.memory_space<vmem>>
    %dma_start3A_51 = arith.constant 128 : i32
    %dma_start3A_52 = tpu.memref_slice %arg9[%dma_start3A_51] : memref<512xi32, #tpu.memory_space<vmem>> -> memref<128xi32, #tpu.memory_space<vmem>>
    %dma_start3A_53 = arith.constant 0 : i32
    %dma_start3A_54 = arith.constant 0 : i32
    %dma_start3A_55 = tpu.memref_slice %arg6[%dma_start3A_53, %dma_start3A_54] : memref<100000x128xf32, #tpu.memory_space<hbm>> -> memref<100000x128xf32, #tpu.memory_space<hbm>>
    tpu.enqueue_indirect_dma source(%dma_start3A_55 : memref<100000x128xf32, #tpu.memory_space<hbm>>) target(%dma_start3A_50 : memref<128x128xf32, #tpu.memory_space<vmem>>) offsets(%dma_start3A_52 : memref<128xi32, #tpu.memory_space<vmem>>) semaphore(%arg21 : memref<!tpu.dma_semaphore, #tpu.memory_space<semaphore_mem>>)
    %dma_wait3A_56 = arith.constant 0 : i32
    %dma_wait3A_57 = arith.constant 0 : i32
    %dma_wait3A_58 = tpu.memref_slice %arg12[%dma_wait3A_56, %dma_wait3A_57] : memref<128x128xf32, #tpu.memory_space<vmem>> -> memref<128x128xf32, #tpu.memory_space<vmem>>
    %dma_wait3A_59 = arith.constant 0 : i32
    %dma_wait3A_60 = tpu.memref_slice %arg8[%dma_wait3A_59] : memref<512xi32, #tpu.memory_space<vmem>> -> memref<128xi32, #tpu.memory_space<vmem>>
    %dma_wait3A_61 = arith.constant 0 : i32
    %dma_wait3A_62 = arith.constant 0 : i32
    %dma_wait3A_63 = tpu.memref_slice %arg5[%dma_wait3A_61, %dma_wait3A_62] : memref<100000x128xf32, #tpu.memory_space<hbm>> -> memref<100000x128xf32, #tpu.memory_space<hbm>>
    tpu.wait_indirect_dma semaphore(%arg18 : memref<!tpu.dma_semaphore, #tpu.memory_space<semaphore_mem>>) src(%dma_wait3A_63 : memref<100000x128xf32, #tpu.memory_space<hbm>>) dst(%dma_wait3A_58 : memref<128x128xf32, #tpu.memory_space<vmem>>)
    %dma_wait3A_64 = arith.constant 0 : i32
    %dma_wait3A_65 = arith.constant 0 : i32
    %dma_wait3A_66 = tpu.memref_slice %arg13[%dma_wait3A_64, %dma_wait3A_65] : memref<128x128xf32, #tpu.memory_space<vmem>> -> memref<128x128xf32, #tpu.memory_space<vmem>>
    %dma_wait3A_67 = arith.constant 0 : i32
    %dma_wait3A_68 = tpu.memref_slice %arg9[%dma_wait3A_67] : memref<512xi32, #tpu.memory_space<vmem>> -> memref<128xi32, #tpu.memory_space<vmem>>
    %dma_wait3A_69 = arith.constant 0 : i32
    %dma_wait3A_70 = arith.constant 0 : i32
    %dma_wait3A_71 = tpu.memref_slice %arg6[%dma_wait3A_69, %dma_wait3A_70] : memref<100000x128xf32, #tpu.memory_space<hbm>> -> memref<100000x128xf32, #tpu.memory_space<hbm>>
    tpu.wait_indirect_dma semaphore(%arg19 : memref<!tpu.dma_semaphore, #tpu.memory_space<semaphore_mem>>) src(%dma_wait3A_71 : memref<100000x128xf32, #tpu.memory_space<hbm>>) dst(%dma_wait3A_66 : memref<128x128xf32, #tpu.memory_space<vmem>>)
    %dma_start3A_72 = arith.constant 0 : i32
    %dma_start3A_73 = arith.constant 0 : i32
    %dma_start3A_74 = tpu.memref_slice %arg16[%dma_start3A_72, %dma_start3A_73] : memref<128x128xf32, #tpu.memory_space<vmem>> -> memref<128x128xf32, #tpu.memory_space<vmem>>
    %dma_start3A_75 = arith.constant 256 : i32
    %dma_start3A_76 = tpu.memref_slice %arg8[%dma_start3A_75] : memref<512xi32, #tpu.memory_space<vmem>> -> memref<128xi32, #tpu.memory_space<vmem>>
    %dma_start3A_77 = arith.constant 0 : i32
    %dma_start3A_78 = arith.constant 0 : i32
    %dma_start3A_79 = tpu.memref_slice %arg5[%dma_start3A_77, %dma_start3A_78] : memref<100000x128xf32, #tpu.memory_space<hbm>> -> memref<100000x128xf32, #tpu.memory_space<hbm>>
    tpu.enqueue_indirect_dma source(%dma_start3A_79 : memref<100000x128xf32, #tpu.memory_space<hbm>>) target(%dma_start3A_74 : memref<128x128xf32, #tpu.memory_space<vmem>>) offsets(%dma_start3A_76 : memref<128xi32, #tpu.memory_space<vmem>>) semaphore(%arg22 : memref<!tpu.dma_semaphore, #tpu.memory_space<semaphore_mem>>)
    %dma_start3A_80 = arith.constant 0 : i32
    %dma_start3A_81 = arith.constant 0 : i32
    %dma_start3A_82 = tpu.memref_slice %arg17[%dma_start3A_80, %dma_start3A_81] : memref<128x128xf32, #tpu.memory_space<vmem>> -> memref<128x128xf32, #tpu.memory_space<vmem>>
    %dma_start3A_83 = arith.constant 256 : i32
    %dma_start3A_84 = tpu.memref_slice %arg9[%dma_start3A_83] : memref<512xi32, #tpu.memory_space<vmem>> -> memref<128xi32, #tpu.memory_space<vmem>>
    %dma_start3A_85 = arith.constant 0 : i32
    %dma_start3A_86 = arith.constant 0 : i32
    %dma_start3A_87 = tpu.memref_slice %arg6[%dma_start3A_85, %dma_start3A_86] : memref<100000x128xf32, #tpu.memory_space<hbm>> -> memref<100000x128xf32, #tpu.memory_space<hbm>>
    tpu.enqueue_indirect_dma source(%dma_start3A_87 : memref<100000x128xf32, #tpu.memory_space<hbm>>) target(%dma_start3A_82 : memref<128x128xf32, #tpu.memory_space<vmem>>) offsets(%dma_start3A_84 : memref<128xi32, #tpu.memory_space<vmem>>) semaphore(%arg23 : memref<!tpu.dma_semaphore, #tpu.memory_space<semaphore_mem>>)
    %parallel_loop3A = arith.constant 0 : i32
    %parallel_loop3A_88 = arith.constant 128 : i32
    %parallel_loop3A_89 = arith.constant 1 : i32
    scf.for %parallel_loop3A_168 = %parallel_loop3A to %parallel_loop3A_88 step %parallel_loop3A_89  : i32 {
      %parallel_loop3A_169 = arith.index_cast %parallel_loop3A_168 : i32 to index
      %parallel_loop3A_170 = arith.constant 0 : index
      %parallel_loop3A_171 = tpu.vector_load %arg12[%parallel_loop3A_169, %parallel_loop3A_170] {strides = array<i32>} : memref<128x128xf32, #tpu.memory_space<vmem>>, vector<16xf32>,
      %parallel_loop3A_172 = arith.index_cast %parallel_loop3A_168 : i32 to index
      %parallel_loop3A_173 = arith.constant 0 : index
      %parallel_loop3A_174 = tpu.vector_load %arg13[%parallel_loop3A_172, %parallel_loop3A_173] {strides = array<i32>} : memref<128x128xf32, #tpu.memory_space<vmem>>, vector<16xf32>,
      %parallel_loop3A_175 = arith.mulf %parallel_loop3A_171, %parallel_loop3A_174 : vector<16xf32>
      %parallel_loop3A_176 = arith.index_cast %parallel_loop3A_168 : i32 to index
      %parallel_loop3A_177 = arith.constant 16 : index
      %parallel_loop3A_178 = tpu.vector_load %arg12[%parallel_loop3A_176, %parallel_loop3A_177] {strides = array<i32>} : memref<128x128xf32, #tpu.memory_space<vmem>>, vector<16xf32>,
      %parallel_loop3A_179 = arith.index_cast %parallel_loop3A_168 : i32 to index
      %parallel_loop3A_180 = arith.constant 16 : index
      %parallel_loop3A_181 = tpu.vector_load %arg13[%parallel_loop3A_179, %parallel_loop3A_180] {strides = array<i32>} : memref<128x128xf32, #tpu.memory_space<vmem>>, vector<16xf32>,
      %parallel_loop3A_182 = arith.mulf %parallel_loop3A_178, %parallel_loop3A_181 : vector<16xf32>
      %parallel_loop3A_183 = arith.index_cast %parallel_loop3A_168 : i32 to index
      %parallel_loop3A_184 = arith.constant 32 : index
      %parallel_loop3A_185 = tpu.vector_load %arg12[%parallel_loop3A_183, %parallel_loop3A_184] {strides = array<i32>} : memref<128x128xf32, #tpu.memory_space<vmem>>, vector<16xf32>,
      %parallel_loop3A_186 = arith.index_cast %parallel_loop3A_168 : i32 to index
      %parallel_loop3A_187 = arith.constant 32 : index
      %parallel_loop3A_188 = tpu.vector_load %arg13[%parallel_loop3A_186, %parallel_loop3A_187] {strides = array<i32>} : memref<128x128xf32, #tpu.memory_space<vmem>>, vector<16xf32>,
      %parallel_loop3A_189 = arith.mulf %parallel_loop3A_185, %parallel_loop3A_188 : vector<16xf32>
      %parallel_loop3A_190 = arith.addf %parallel_loop3A_175, %parallel_loop3A_189 : vector<16xf32>
      %parallel_loop3A_191 = arith.index_cast %parallel_loop3A_168 : i32 to index
      %parallel_loop3A_192 = arith.constant 48 : index
      %parallel_loop3A_193 = tpu.vector_load %arg12[%parallel_loop3A_191, %parallel_loop3A_192] {strides = array<i32>} : memref<128x128xf32, #tpu.memory_space<vmem>>, vector<16xf32>,
      %parallel_loop3A_194 = arith.index_cast %parallel_loop3A_168 : i32 to index
      %parallel_loop3A_195 = arith.constant 48 : index
      %parallel_loop3A_196 = tpu.vector_load %arg13[%parallel_loop3A_194, %parallel_loop3A_195] {strides = array<i32>} : memref<128x128xf32, #tpu.memory_space<vmem>>, vector<16xf32>,
      %parallel_loop3A_197 = arith.mulf %parallel_loop3A_193, %parallel_loop3A_196 : vector<16xf32>
      %parallel_loop3A_198 = arith.addf %parallel_loop3A_182, %parallel_loop3A_197 : vector<16xf32>
      %parallel_loop3A_199 = arith.index_cast %parallel_loop3A_168 : i32 to index
      %parallel_loop3A_200 = arith.constant 64 : index
      %parallel_loop3A_201 = tpu.vector_load %arg12[%parallel_loop3A_199, %parallel_loop3A_200] {strides = array<i32>} : memref<128x128xf32, #tpu.memory_space<vmem>>, vector<16xf32>,
      %parallel_loop3A_202 = arith.index_cast %parallel_loop3A_168 : i32 to index
      %parallel_loop3A_203 = arith.constant 64 : index
      %parallel_loop3A_204 = tpu.vector_load %arg13[%parallel_loop3A_202, %parallel_loop3A_203] {strides = array<i32>} : memref<128x128xf32, #tpu.memory_space<vmem>>, vector<16xf32>,
      %parallel_loop3A_205 = arith.mulf %parallel_loop3A_201, %parallel_loop3A_204 : vector<16xf32>
      %parallel_loop3A_206 = arith.addf %parallel_loop3A_190, %parallel_loop3A_205 : vector<16xf32>
      %parallel_loop3A_207 = arith.index_cast %parallel_loop3A_168 : i32 to index
      %parallel_loop3A_208 = arith.constant 80 : index
      %parallel_loop3A_209 = tpu.vector_load %arg12[%parallel_loop3A_207, %parallel_loop3A_208] {strides = array<i32>} : memref<128x128xf32, #tpu.memory_space<vmem>>, vector<16xf32>,
      %parallel_loop3A_210 = arith.index_cast %parallel_loop3A_168 : i32 to index
      %parallel_loop3A_211 = arith.constant 80 : index
      %parallel_loop3A_212 = tpu.vector_load %arg13[%parallel_loop3A_210, %parallel_loop3A_211] {strides = array<i32>} : memref<128x128xf32, #tpu.memory_space<vmem>>, vector<16xf32>,
      %parallel_loop3A_213 = arith.mulf %parallel_loop3A_209, %parallel_loop3A_212 : vector<16xf32>
      %parallel_loop3A_214 = arith.addf %parallel_loop3A_198, %parallel_loop3A_213 : vector<16xf32>
      %parallel_loop3A_215 = arith.index_cast %parallel_loop3A_168 : i32 to index
      %parallel_loop3A_216 = arith.constant 96 : index
      %parallel_loop3A_217 = tpu.vector_load %arg12[%parallel_loop3A_215, %parallel_loop3A_216] {strides = array<i32>} : memref<128x128xf32, #tpu.memory_space<vmem>>, vector<16xf32>,
      %parallel_loop3A_218 = arith.index_cast %parallel_loop3A_168 : i32 to index
      %parallel_loop3A_219 = arith.constant 96 : index
      %parallel_loop3A_220 = tpu.vector_load %arg13[%parallel_loop3A_218, %parallel_loop3A_219] {strides = array<i32>} : memref<128x128xf32, #tpu.memory_space<vmem>>, vector<16xf32>,
      %parallel_loop3A_221 = arith.mulf %parallel_loop3A_217, %parallel_loop3A_220 : vector<16xf32>
      %parallel_loop3A_222 = arith.addf %parallel_loop3A_206, %parallel_loop3A_221 : vector<16xf32>
      %parallel_loop3A_223 = arith.index_cast %parallel_loop3A_168 : i32 to index
      %parallel_loop3A_224 = arith.constant 112 : index
      %parallel_loop3A_225 = tpu.vector_load %arg12[%parallel_loop3A_223, %parallel_loop3A_224] {strides = array<i32>} : memref<128x128xf32, #tpu.memory_space<vmem>>, vector<16xf32>,
      %parallel_loop3A_226 = arith.index_cast %parallel_loop3A_168 : i32 to index
      %parallel_loop3A_227 = arith.constant 112 : index
      %parallel_loop3A_228 = tpu.vector_load %arg13[%parallel_loop3A_226, %parallel_loop3A_227] {strides = array<i32>} : memref<128x128xf32, #tpu.memory_space<vmem>>, vector<16xf32>,
      %parallel_loop3A_229 = arith.mulf %parallel_loop3A_225, %parallel_loop3A_228 : vector<16xf32>
      %parallel_loop3A_230 = arith.addf %parallel_loop3A_214, %parallel_loop3A_229 : vector<16xf32>
      %parallel_loop3A_231 = arith.addf %parallel_loop3A_222, %parallel_loop3A_230 : vector<16xf32>
      %parallel_loop3A_232 = arith.constant 0 : i32
      %parallel_loop3A_233 = vector.broadcast %parallel_loop3A_232 : i32 to vector<16xi32>
      %parallel_loop3A_234 = arith.cmpi slt, %xor3A_12, %parallel_loop3A_233 : vector<16xi32>
      %parallel_loop3A_235 = arith.constant 16 : i32
      %parallel_loop3A_236 = vector.broadcast %parallel_loop3A_235 : i32 to vector<16xi32>
      %parallel_loop3A_237 = arith.addi %xor3A_12, %parallel_loop3A_236 : vector<16xi32>
      %parallel_loop3A_238 = arith.select %parallel_loop3A_234, %parallel_loop3A_237, %xor3A_12 : vector<16xi1>, vector<16xi32>
      %parallel_loop3A_239 = vector.shape_cast %parallel_loop3A_238 : vector<16xi32> to vector<16x1xi32>
      %parallel_loop3A_240 = vector.shape_cast %parallel_loop3A_239 : vector<16x1xi32> to vector<16xi32>
      %parallel_loop3A_241 = tpu.dynamic_gather %parallel_loop3A_231[%parallel_loop3A_240] in [0] : vector<16xf32>, vector<16xi32> -> vector<16xf32>
      %parallel_loop3A_242 = arith.addf %parallel_loop3A_231, %parallel_loop3A_241 : vector<16xf32>
      %parallel_loop3A_243 = arith.constant 0 : i32
      %parallel_loop3A_244 = vector.broadcast %parallel_loop3A_243 : i32 to vector<16xi32>
      %parallel_loop3A_245 = arith.cmpi slt, %xor3A_15, %parallel_loop3A_244 : vector<16xi32>
      %parallel_loop3A_246 = arith.constant 16 : i32
      %parallel_loop3A_247 = vector.broadcast %parallel_loop3A_246 : i32 to vector<16xi32>
      %parallel_loop3A_248 = arith.addi %xor3A_15, %parallel_loop3A_247 : vector<16xi32>
      %parallel_loop3A_249 = arith.select %parallel_loop3A_245, %parallel_loop3A_248, %xor3A_15 : vector<16xi1>, vector<16xi32>
      %parallel_loop3A_250 = vector.shape_cast %parallel_loop3A_249 : vector<16xi32> to vector<16x1xi32>
      %parallel_loop3A_251 = vector.shape_cast %parallel_loop3A_250 : vector<16x1xi32> to vector<16xi32>
      %parallel_loop3A_252 = tpu.dynamic_gather %parallel_loop3A_242[%parallel_loop3A_251] in [0] : vector<16xf32>, vector<16xi32> -> vector<16xf32>
      %parallel_loop3A_253 = arith.addf %parallel_loop3A_242, %parallel_loop3A_252 : vector<16xf32>
      %parallel_loop3A_254 = arith.constant 0 : i32
      %parallel_loop3A_255 = vector.broadcast %parallel_loop3A_254 : i32 to vector<16xi32>
      %parallel_loop3A_256 = arith.cmpi slt, %xor3A_18, %parallel_loop3A_255 : vector<16xi32>
      %parallel_loop3A_257 = arith.constant 16 : i32
      %parallel_loop3A_258 = vector.broadcast %parallel_loop3A_257 : i32 to vector<16xi32>
      %parallel_loop3A_259 = arith.addi %xor3A_18, %parallel_loop3A_258 : vector<16xi32>
      %parallel_loop3A_260 = arith.select %parallel_loop3A_256, %parallel_loop3A_259, %xor3A_18 : vector<16xi1>, vector<16xi32>
      %parallel_loop3A_261 = vector.shape_cast %parallel_loop3A_260 : vector<16xi32> to vector<16x1xi32>
      %parallel_loop3A_262 = vector.shape_cast %parallel_loop3A_261 : vector<16x1xi32> to vector<16xi32>
      %parallel_loop3A_263 = tpu.dynamic_gather %parallel_loop3A_253[%parallel_loop3A_262] in [0] : vector<16xf32>, vector<16xi32> -> vector<16xf32>
      %parallel_loop3A_264 = arith.addf %parallel_loop3A_253, %parallel_loop3A_263 : vector<16xf32>
      %parallel_loop3A_265 = arith.constant 0 : i32
      %parallel_loop3A_266 = vector.broadcast %parallel_loop3A_265 : i32 to vector<16xi32>
      %parallel_loop3A_267 = arith.cmpi slt, %xor3A_21, %parallel_loop3A_266 : vector<16xi32>
      %parallel_loop3A_268 = arith.constant 16 : i32
      %parallel_loop3A_269 = vector.broadcast %parallel_loop3A_268 : i32 to vector<16xi32>
      %parallel_loop3A_270 = arith.addi %xor3A_21, %parallel_loop3A_269 : vector<16xi32>
      %parallel_loop3A_271 = arith.select %parallel_loop3A_267, %parallel_loop3A_270, %xor3A_21 : vector<16xi1>, vector<16xi32>
      %parallel_loop3A_272 = vector.shape_cast %parallel_loop3A_271 : vector<16xi32> to vector<16x1xi32>
      %parallel_loop3A_273 = vector.shape_cast %parallel_loop3A_272 : vector<16x1xi32> to vector<16xi32>
      %parallel_loop3A_274 = tpu.dynamic_gather %parallel_loop3A_264[%parallel_loop3A_273] in [0] : vector<16xf32>, vector<16xi32> -> vector<16xf32>
      %parallel_loop3A_275 = arith.addf %parallel_loop3A_264, %parallel_loop3A_274 : vector<16xf32>
      %parallel_loop3A_276 = arith.constant 0 : i32
      %parallel_loop3A_277 = arith.addi %parallel_loop3A_276, %parallel_loop3A_168 : i32
      %parallel_loop3A_278 = vector.broadcast %parallel_loop3A_277 : i32 to vector<16xi32>
      tpu.vector_store_idx %arg11[%parallel_loop3A_278], %parallel_loop3A_275 masked %eq3A_23 : memref<512xf32, #tpu.memory_space<vmem>>[vector<16xi32>], vector<16xf32>, vector<16xi1>
    } {sc.loop_unroll_factor = 4 : i64, sc.parallel_access}
    %dma_wait3A_90 = arith.constant 0 : i32
    %dma_wait3A_91 = arith.constant 0 : i32
    %dma_wait3A_92 = tpu.memref_slice %arg14[%dma_wait3A_90, %dma_wait3A_91] : memref<128x128xf32, #tpu.memory_space<vmem>> -> memref<128x128xf32, #tpu.memory_space<vmem>>
    %dma_wait3A_93 = arith.constant 128 : i32
    %dma_wait3A_94 = tpu.memref_slice %arg8[%dma_wait3A_93] : memref<512xi32, #tpu.memory_space<vmem>> -> memref<128xi32, #tpu.memory_space<vmem>>
    %dma_wait3A_95 = arith.constant 0 : i32
    %dma_wait3A_96 = arith.constant 0 : i32
    %dma_wait3A_97 = tpu.memref_slice %arg5[%dma_wait3A_95, %dma_wait3A_96] : memref<100000x128xf32, #tpu.memory_space<hbm>> -> memref<100000x128xf32, #tpu.memory_space<hbm>>
    tpu.wait_indirect_dma semaphore(%arg20 : memref<!tpu.dma_semaphore, #tpu.memory_space<semaphore_mem>>) src(%dma_wait3A_97 : memref<100000x128xf32, #tpu.memory_space<hbm>>) dst(%dma_wait3A_92 : memref<128x128xf32, #tpu.memory_space<vmem>>)
    %dma_wait3A_98 = arith.constant 0 : i32
    %dma_wait3A_99 = arith.constant 0 : i32
    %dma_wait3A_100 = tpu.memref_slice %arg15[%dma_wait3A_98, %dma_wait3A_99] : memref<128x128xf32, #tpu.memory_space<vmem>> -> memref<128x128xf32, #tpu.memory_space<vmem>>
    %dma_wait3A_101 = arith.constant 128 : i32
    %dma_wait3A_102 = tpu.memref_slice %arg9[%dma_wait3A_101] : memref<512xi32, #tpu.memory_space<vmem>> -> memref<128xi32, #tpu.memory_space<vmem>>
    %dma_wait3A_103 = arith.constant 0 : i32
    %dma_wait3A_104 = arith.constant 0 : i32
    %dma_wait3A_105 = tpu.memref_slice %arg6[%dma_wait3A_103, %dma_wait3A_104] : memref<100000x128xf32, #tpu.memory_space<hbm>> -> memref<100000x128xf32, #tpu.memory_space<hbm>>
    tpu.wait_indirect_dma semaphore(%arg21 : memref<!tpu.dma_semaphore, #tpu.memory_space<semaphore_mem>>) src(%dma_wait3A_105 : memref<100000x128xf32, #tpu.memory_space<hbm>>) dst(%dma_wait3A_100 : memref<128x128xf32, #tpu.memory_space<vmem>>)
    %dma_start3A_106 = arith.constant 0 : i32
    %dma_start3A_107 = arith.constant 0 : i32
    %dma_start3A_108 = tpu.memref_slice %arg12[%dma_start3A_106, %dma_start3A_107] : memref<128x128xf32, #tpu.memory_space<vmem>> -> memref<128x128xf32, #tpu.memory_space<vmem>>
    %dma_start3A_109 = arith.constant 384 : i32
    %dma_start3A_110 = tpu.memref_slice %arg8[%dma_start3A_109] : memref<512xi32, #tpu.memory_space<vmem>> -> memref<128xi32, #tpu.memory_space<vmem>>
    %dma_start3A_111 = arith.constant 0 : i32
    %dma_start3A_112 = arith.constant 0 : i32
    %dma_start3A_113 = tpu.memref_slice %arg5[%dma_start3A_111, %dma_start3A_112] : memref<100000x128xf32, #tpu.memory_space<hbm>> -> memref<100000x128xf32, #tpu.memory_space<hbm>>
    tpu.enqueue_indirect_dma source(%dma_start3A_113 : memref<100000x128xf32, #tpu.memory_space<hbm>>) target(%dma_start3A_108 : memref<128x128xf32, #tpu.memory_space<vmem>>) offsets(%dma_start3A_110 : memref<128xi32, #tpu.memory_space<vmem>>) semaphore(%arg18 : memref<!tpu.dma_semaphore, #tpu.memory_space<semaphore_mem>>)
    %dma_start3A_114 = arith.constant 0 : i32
    %dma_start3A_115 = arith.constant 0 : i32
    %dma_start3A_116 = tpu.memref_slice %arg13[%dma_start3A_114, %dma_start3A_115] : memref<128x128xf32, #tpu.memory_space<vmem>> -> memref<128x128xf32, #tpu.memory_space<vmem>>
    %dma_start3A_117 = arith.constant 384 : i32
    %dma_start3A_118 = tpu.memref_slice %arg9[%dma_start3A_117] : memref<512xi32, #tpu.memory_space<vmem>> -> memref<128xi32, #tpu.memory_space<vmem>>
    %dma_start3A_119 = arith.constant 0 : i32
    %dma_start3A_120 = arith.constant 0 : i32
    %dma_start3A_121 = tpu.memref_slice %arg6[%dma_start3A_119, %dma_start3A_120] : memref<100000x128xf32, #tpu.memory_space<hbm>> -> memref<100000x128xf32, #tpu.memory_space<hbm>>
    tpu.enqueue_indirect_dma source(%dma_start3A_121 : memref<100000x128xf32, #tpu.memory_space<hbm>>) target(%dma_start3A_116 : memref<128x128xf32, #tpu.memory_space<vmem>>) offsets(%dma_start3A_118 : memref<128xi32, #tpu.memory_space<vmem>>) semaphore(%arg19 : memref<!tpu.dma_semaphore, #tpu.memory_space<semaphore_mem>>)
    %parallel_loop3A_122 = arith.constant 0 : i32
    %parallel_loop3A_123 = arith.constant 128 : i32
    %parallel_loop3A_124 = arith.constant 1 : i32
    scf.for %parallel_loop3A_168 = %parallel_loop3A_122 to %parallel_loop3A_123 step %parallel_loop3A_124  : i32 {
      %parallel_loop3A_169 = arith.index_cast %parallel_loop3A_168 : i32 to index
      %parallel_loop3A_170 = arith.constant 0 : index
      %parallel_loop3A_171 = tpu.vector_load %arg14[%parallel_loop3A_169, %parallel_loop3A_170] {strides = array<i32>} : memref<128x128xf32, #tpu.memory_space<vmem>>, vector<16xf32>,
      %parallel_loop3A_172 = arith.index_cast %parallel_loop3A_168 : i32 to index
      %parallel_loop3A_173 = arith.constant 0 : index
      %parallel_loop3A_174 = tpu.vector_load %arg15[%parallel_loop3A_172, %parallel_loop3A_173] {strides = array<i32>} : memref<128x128xf32, #tpu.memory_space<vmem>>, vector<16xf32>,
      %parallel_loop3A_175 = arith.mulf %parallel_loop3A_171, %parallel_loop3A_174 : vector<16xf32>
      %parallel_loop3A_176 = arith.index_cast %parallel_loop3A_168 : i32 to index
      %parallel_loop3A_177 = arith.constant 16 : index
      %parallel_loop3A_178 = tpu.vector_load %arg14[%parallel_loop3A_176, %parallel_loop3A_177] {strides = array<i32>} : memref<128x128xf32, #tpu.memory_space<vmem>>, vector<16xf32>,
      %parallel_loop3A_179 = arith.index_cast %parallel_loop3A_168 : i32 to index
      %parallel_loop3A_180 = arith.constant 16 : index
      %parallel_loop3A_181 = tpu.vector_load %arg15[%parallel_loop3A_179, %parallel_loop3A_180] {strides = array<i32>} : memref<128x128xf32, #tpu.memory_space<vmem>>, vector<16xf32>,
      %parallel_loop3A_182 = arith.mulf %parallel_loop3A_178, %parallel_loop3A_181 : vector<16xf32>
      %parallel_loop3A_183 = arith.index_cast %parallel_loop3A_168 : i32 to index
      %parallel_loop3A_184 = arith.constant 32 : index
      %parallel_loop3A_185 = tpu.vector_load %arg14[%parallel_loop3A_183, %parallel_loop3A_184] {strides = array<i32>} : memref<128x128xf32, #tpu.memory_space<vmem>>, vector<16xf32>,
      %parallel_loop3A_186 = arith.index_cast %parallel_loop3A_168 : i32 to index
      %parallel_loop3A_187 = arith.constant 32 : index
      %parallel_loop3A_188 = tpu.vector_load %arg15[%parallel_loop3A_186, %parallel_loop3A_187] {strides = array<i32>} : memref<128x128xf32, #tpu.memory_space<vmem>>, vector<16xf32>,
      %parallel_loop3A_189 = arith.mulf %parallel_loop3A_185, %parallel_loop3A_188 : vector<16xf32>
      %parallel_loop3A_190 = arith.addf %parallel_loop3A_175, %parallel_loop3A_189 : vector<16xf32>
      %parallel_loop3A_191 = arith.index_cast %parallel_loop3A_168 : i32 to index
      %parallel_loop3A_192 = arith.constant 48 : index
      %parallel_loop3A_193 = tpu.vector_load %arg14[%parallel_loop3A_191, %parallel_loop3A_192] {strides = array<i32>} : memref<128x128xf32, #tpu.memory_space<vmem>>, vector<16xf32>,
      %parallel_loop3A_194 = arith.index_cast %parallel_loop3A_168 : i32 to index
      %parallel_loop3A_195 = arith.constant 48 : index
      %parallel_loop3A_196 = tpu.vector_load %arg15[%parallel_loop3A_194, %parallel_loop3A_195] {strides = array<i32>} : memref<128x128xf32, #tpu.memory_space<vmem>>, vector<16xf32>,
      %parallel_loop3A_197 = arith.mulf %parallel_loop3A_193, %parallel_loop3A_196 : vector<16xf32>
      %parallel_loop3A_198 = arith.addf %parallel_loop3A_182, %parallel_loop3A_197 : vector<16xf32>
      %parallel_loop3A_199 = arith.index_cast %parallel_loop3A_168 : i32 to index
      %parallel_loop3A_200 = arith.constant 64 : index
      %parallel_loop3A_201 = tpu.vector_load %arg14[%parallel_loop3A_199, %parallel_loop3A_200] {strides = array<i32>} : memref<128x128xf32, #tpu.memory_space<vmem>>, vector<16xf32>,
      %parallel_loop3A_202 = arith.index_cast %parallel_loop3A_168 : i32 to index
      %parallel_loop3A_203 = arith.constant 64 : index
      %parallel_loop3A_204 = tpu.vector_load %arg15[%parallel_loop3A_202, %parallel_loop3A_203] {strides = array<i32>} : memref<128x128xf32, #tpu.memory_space<vmem>>, vector<16xf32>,
      %parallel_loop3A_205 = arith.mulf %parallel_loop3A_201, %parallel_loop3A_204 : vector<16xf32>
      %parallel_loop3A_206 = arith.addf %parallel_loop3A_190, %parallel_loop3A_205 : vector<16xf32>
      %parallel_loop3A_207 = arith.index_cast %parallel_loop3A_168 : i32 to index
      %parallel_loop3A_208 = arith.constant 80 : index
      %parallel_loop3A_209 = tpu.vector_load %arg14[%parallel_loop3A_207, %parallel_loop3A_208] {strides = array<i32>} : memref<128x128xf32, #tpu.memory_space<vmem>>, vector<16xf32>,
      %parallel_loop3A_210 = arith.index_cast %parallel_loop3A_168 : i32 to index
      %parallel_loop3A_211 = arith.constant 80 : index
      %parallel_loop3A_212 = tpu.vector_load %arg15[%parallel_loop3A_210, %parallel_loop3A_211] {strides = array<i32>} : memref<128x128xf32, #tpu.memory_space<vmem>>, vector<16xf32>,
      %parallel_loop3A_213 = arith.mulf %parallel_loop3A_209, %parallel_loop3A_212 : vector<16xf32>
      %parallel_loop3A_214 = arith.addf %parallel_loop3A_198, %parallel_loop3A_213 : vector<16xf32>
      %parallel_loop3A_215 = arith.index_cast %parallel_loop3A_168 : i32 to index
      %parallel_loop3A_216 = arith.constant 96 : index
      %parallel_loop3A_217 = tpu.vector_load %arg14[%parallel_loop3A_215, %parallel_loop3A_216] {strides = array<i32>} : memref<128x128xf32, #tpu.memory_space<vmem>>, vector<16xf32>,
      %parallel_loop3A_218 = arith.index_cast %parallel_loop3A_168 : i32 to index
      %parallel_loop3A_219 = arith.constant 96 : index
      %parallel_loop3A_220 = tpu.vector_load %arg15[%parallel_loop3A_218, %parallel_loop3A_219] {strides = array<i32>} : memref<128x128xf32, #tpu.memory_space<vmem>>, vector<16xf32>,
      %parallel_loop3A_221 = arith.mulf %parallel_loop3A_217, %parallel_loop3A_220 : vector<16xf32>
      %parallel_loop3A_222 = arith.addf %parallel_loop3A_206, %parallel_loop3A_221 : vector<16xf32>
      %parallel_loop3A_223 = arith.index_cast %parallel_loop3A_168 : i32 to index
      %parallel_loop3A_224 = arith.constant 112 : index
      %parallel_loop3A_225 = tpu.vector_load %arg14[%parallel_loop3A_223, %parallel_loop3A_224] {strides = array<i32>} : memref<128x128xf32, #tpu.memory_space<vmem>>, vector<16xf32>,
      %parallel_loop3A_226 = arith.index_cast %parallel_loop3A_168 : i32 to index
      %parallel_loop3A_227 = arith.constant 112 : index
      %parallel_loop3A_228 = tpu.vector_load %arg15[%parallel_loop3A_226, %parallel_loop3A_227] {strides = array<i32>} : memref<128x128xf32, #tpu.memory_space<vmem>>, vector<16xf32>,
      %parallel_loop3A_229 = arith.mulf %parallel_loop3A_225, %parallel_loop3A_228 : vector<16xf32>
      %parallel_loop3A_230 = arith.addf %parallel_loop3A_214, %parallel_loop3A_229 : vector<16xf32>
      %parallel_loop3A_231 = arith.addf %parallel_loop3A_222, %parallel_loop3A_230 : vector<16xf32>
      %parallel_loop3A_232 = arith.constant 0 : i32
      %parallel_loop3A_233 = vector.broadcast %parallel_loop3A_232 : i32 to vector<16xi32>
      %parallel_loop3A_234 = arith.cmpi slt, %xor3A_12, %parallel_loop3A_233 : vector<16xi32>
      %parallel_loop3A_235 = arith.constant 16 : i32
      %parallel_loop3A_236 = vector.broadcast %parallel_loop3A_235 : i32 to vector<16xi32>
      %parallel_loop3A_237 = arith.addi %xor3A_12, %parallel_loop3A_236 : vector<16xi32>
      %parallel_loop3A_238 = arith.select %parallel_loop3A_234, %parallel_loop3A_237, %xor3A_12 : vector<16xi1>, vector<16xi32>
      %parallel_loop3A_239 = vector.shape_cast %parallel_loop3A_238 : vector<16xi32> to vector<16x1xi32>
      %parallel_loop3A_240 = vector.shape_cast %parallel_loop3A_239 : vector<16x1xi32> to vector<16xi32>
      %parallel_loop3A_241 = tpu.dynamic_gather %parallel_loop3A_231[%parallel_loop3A_240] in [0] : vector<16xf32>, vector<16xi32> -> vector<16xf32>
      %parallel_loop3A_242 = arith.addf %parallel_loop3A_231, %parallel_loop3A_241 : vector<16xf32>
      %parallel_loop3A_243 = arith.constant 0 : i32
      %parallel_loop3A_244 = vector.broadcast %parallel_loop3A_243 : i32 to vector<16xi32>
      %parallel_loop3A_245 = arith.cmpi slt, %xor3A_15, %parallel_loop3A_244 : vector<16xi32>
      %parallel_loop3A_246 = arith.constant 16 : i32
      %parallel_loop3A_247 = vector.broadcast %parallel_loop3A_246 : i32 to vector<16xi32>
      %parallel_loop3A_248 = arith.addi %xor3A_15, %parallel_loop3A_247 : vector<16xi32>
      %parallel_loop3A_249 = arith.select %parallel_loop3A_245, %parallel_loop3A_248, %xor3A_15 : vector<16xi1>, vector<16xi32>
      %parallel_loop3A_250 = vector.shape_cast %parallel_loop3A_249 : vector<16xi32> to vector<16x1xi32>
      %parallel_loop3A_251 = vector.shape_cast %parallel_loop3A_250 : vector<16x1xi32> to vector<16xi32>
      %parallel_loop3A_252 = tpu.dynamic_gather %parallel_loop3A_242[%parallel_loop3A_251] in [0] : vector<16xf32>, vector<16xi32> -> vector<16xf32>
      %parallel_loop3A_253 = arith.addf %parallel_loop3A_242, %parallel_loop3A_252 : vector<16xf32>
      %parallel_loop3A_254 = arith.constant 0 : i32
      %parallel_loop3A_255 = vector.broadcast %parallel_loop3A_254 : i32 to vector<16xi32>
      %parallel_loop3A_256 = arith.cmpi slt, %xor3A_18, %parallel_loop3A_255 : vector<16xi32>
      %parallel_loop3A_257 = arith.constant 16 : i32
      %parallel_loop3A_258 = vector.broadcast %parallel_loop3A_257 : i32 to vector<16xi32>
      %parallel_loop3A_259 = arith.addi %xor3A_18, %parallel_loop3A_258 : vector<16xi32>
      %parallel_loop3A_260 = arith.select %parallel_loop3A_256, %parallel_loop3A_259, %xor3A_18 : vector<16xi1>, vector<16xi32>
      %parallel_loop3A_261 = vector.shape_cast %parallel_loop3A_260 : vector<16xi32> to vector<16x1xi32>
      %parallel_loop3A_262 = vector.shape_cast %parallel_loop3A_261 : vector<16x1xi32> to vector<16xi32>
      %parallel_loop3A_263 = tpu.dynamic_gather %parallel_loop3A_253[%parallel_loop3A_262] in [0] : vector<16xf32>, vector<16xi32> -> vector<16xf32>
      %parallel_loop3A_264 = arith.addf %parallel_loop3A_253, %parallel_loop3A_263 : vector<16xf32>
      %parallel_loop3A_265 = arith.constant 0 : i32
      %parallel_loop3A_266 = vector.broadcast %parallel_loop3A_265 : i32 to vector<16xi32>
      %parallel_loop3A_267 = arith.cmpi slt, %xor3A_21, %parallel_loop3A_266 : vector<16xi32>
      %parallel_loop3A_268 = arith.constant 16 : i32
      %parallel_loop3A_269 = vector.broadcast %parallel_loop3A_268 : i32 to vector<16xi32>
      %parallel_loop3A_270 = arith.addi %xor3A_21, %parallel_loop3A_269 : vector<16xi32>
      %parallel_loop3A_271 = arith.select %parallel_loop3A_267, %parallel_loop3A_270, %xor3A_21 : vector<16xi1>, vector<16xi32>
      %parallel_loop3A_272 = vector.shape_cast %parallel_loop3A_271 : vector<16xi32> to vector<16x1xi32>
      %parallel_loop3A_273 = vector.shape_cast %parallel_loop3A_272 : vector<16x1xi32> to vector<16xi32>
      %parallel_loop3A_274 = tpu.dynamic_gather %parallel_loop3A_264[%parallel_loop3A_273] in [0] : vector<16xf32>, vector<16xi32> -> vector<16xf32>
      %parallel_loop3A_275 = arith.addf %parallel_loop3A_264, %parallel_loop3A_274 : vector<16xf32>
      %parallel_loop3A_276 = arith.constant 128 : i32
      %parallel_loop3A_277 = arith.addi %parallel_loop3A_276, %parallel_loop3A_168 : i32
      %parallel_loop3A_278 = vector.broadcast %parallel_loop3A_277 : i32 to vector<16xi32>
      tpu.vector_store_idx %arg11[%parallel_loop3A_278], %parallel_loop3A_275 masked %eq3A_23 : memref<512xf32, #tpu.memory_space<vmem>>[vector<16xi32>], vector<16xf32>, vector<16xi1>
    } {sc.loop_unroll_factor = 4 : i64, sc.parallel_access}
    %dma_wait3A_125 = arith.constant 0 : i32
    %dma_wait3A_126 = arith.constant 0 : i32
    %dma_wait3A_127 = tpu.memref_slice %arg16[%dma_wait3A_125, %dma_wait3A_126] : memref<128x128xf32, #tpu.memory_space<vmem>> -> memref<128x128xf32, #tpu.memory_space<vmem>>
    %dma_wait3A_128 = arith.constant 256 : i32
    %dma_wait3A_129 = tpu.memref_slice %arg8[%dma_wait3A_128] : memref<512xi32, #tpu.memory_space<vmem>> -> memref<128xi32, #tpu.memory_space<vmem>>
    %dma_wait3A_130 = arith.constant 0 : i32
    %dma_wait3A_131 = arith.constant 0 : i32
    %dma_wait3A_132 = tpu.memref_slice %arg5[%dma_wait3A_130, %dma_wait3A_131] : memref<100000x128xf32, #tpu.memory_space<hbm>> -> memref<100000x128xf32, #tpu.memory_space<hbm>>
    tpu.wait_indirect_dma semaphore(%arg22 : memref<!tpu.dma_semaphore, #tpu.memory_space<semaphore_mem>>) src(%dma_wait3A_132 : memref<100000x128xf32, #tpu.memory_space<hbm>>) dst(%dma_wait3A_127 : memref<128x128xf32, #tpu.memory_space<vmem>>)
    %dma_wait3A_133 = arith.constant 0 : i32
    %dma_wait3A_134 = arith.constant 0 : i32
    %dma_wait3A_135 = tpu.memref_slice %arg17[%dma_wait3A_133, %dma_wait3A_134] : memref<128x128xf32, #tpu.memory_space<vmem>> -> memref<128x128xf32, #tpu.memory_space<vmem>>
    %dma_wait3A_136 = arith.constant 256 : i32
    %dma_wait3A_137 = tpu.memref_slice %arg9[%dma_wait3A_136] : memref<512xi32, #tpu.memory_space<vmem>> -> memref<128xi32, #tpu.memory_space<vmem>>
    %dma_wait3A_138 = arith.constant 0 : i32
    %dma_wait3A_139 = arith.constant 0 : i32
    %dma_wait3A_140 = tpu.memref_slice %arg6[%dma_wait3A_138, %dma_wait3A_139] : memref<100000x128xf32, #tpu.memory_space<hbm>> -> memref<100000x128xf32, #tpu.memory_space<hbm>>
    tpu.wait_indirect_dma semaphore(%arg23 : memref<!tpu.dma_semaphore, #tpu.memory_space<semaphore_mem>>) src(%dma_wait3A_140 : memref<100000x128xf32, #tpu.memory_space<hbm>>) dst(%dma_wait3A_135 : memref<128x128xf32, #tpu.memory_space<vmem>>)
    %parallel_loop3A_141 = arith.constant 0 : i32
    %parallel_loop3A_142 = arith.constant 128 : i32
    %parallel_loop3A_143 = arith.constant 1 : i32
    scf.for %parallel_loop3A_168 = %parallel_loop3A_141 to %parallel_loop3A_142 step %parallel_loop3A_143  : i32 {
      %parallel_loop3A_169 = arith.index_cast %parallel_loop3A_168 : i32 to index
      %parallel_loop3A_170 = arith.constant 0 : index
      %parallel_loop3A_171 = tpu.vector_load %arg16[%parallel_loop3A_169, %parallel_loop3A_170] {strides = array<i32>} : memref<128x128xf32, #tpu.memory_space<vmem>>, vector<16xf32>,
      %parallel_loop3A_172 = arith.index_cast %parallel_loop3A_168 : i32 to index
      %parallel_loop3A_173 = arith.constant 0 : index
      %parallel_loop3A_174 = tpu.vector_load %arg17[%parallel_loop3A_172, %parallel_loop3A_173] {strides = array<i32>} : memref<128x128xf32, #tpu.memory_space<vmem>>, vector<16xf32>,
      %parallel_loop3A_175 = arith.mulf %parallel_loop3A_171, %parallel_loop3A_174 : vector<16xf32>
      %parallel_loop3A_176 = arith.index_cast %parallel_loop3A_168 : i32 to index
      %parallel_loop3A_177 = arith.constant 16 : index
      %parallel_loop3A_178 = tpu.vector_load %arg16[%parallel_loop3A_176, %parallel_loop3A_177] {strides = array<i32>} : memref<128x128xf32, #tpu.memory_space<vmem>>, vector<16xf32>,
      %parallel_loop3A_179 = arith.index_cast %parallel_loop3A_168 : i32 to index
      %parallel_loop3A_180 = arith.constant 16 : index
      %parallel_loop3A_181 = tpu.vector_load %arg17[%parallel_loop3A_179, %parallel_loop3A_180] {strides = array<i32>} : memref<128x128xf32, #tpu.memory_space<vmem>>, vector<16xf32>,
      %parallel_loop3A_182 = arith.mulf %parallel_loop3A_178, %parallel_loop3A_181 : vector<16xf32>
      %parallel_loop3A_183 = arith.index_cast %parallel_loop3A_168 : i32 to index
      %parallel_loop3A_184 = arith.constant 32 : index
      %parallel_loop3A_185 = tpu.vector_load %arg16[%parallel_loop3A_183, %parallel_loop3A_184] {strides = array<i32>} : memref<128x128xf32, #tpu.memory_space<vmem>>, vector<16xf32>,
      %parallel_loop3A_186 = arith.index_cast %parallel_loop3A_168 : i32 to index
      %parallel_loop3A_187 = arith.constant 32 : index
      %parallel_loop3A_188 = tpu.vector_load %arg17[%parallel_loop3A_186, %parallel_loop3A_187] {strides = array<i32>} : memref<128x128xf32, #tpu.memory_space<vmem>>, vector<16xf32>,
      %parallel_loop3A_189 = arith.mulf %parallel_loop3A_185, %parallel_loop3A_188 : vector<16xf32>
      %parallel_loop3A_190 = arith.addf %parallel_loop3A_175, %parallel_loop3A_189 : vector<16xf32>
      %parallel_loop3A_191 = arith.index_cast %parallel_loop3A_168 : i32 to index
      %parallel_loop3A_192 = arith.constant 48 : index
      %parallel_loop3A_193 = tpu.vector_load %arg16[%parallel_loop3A_191, %parallel_loop3A_192] {strides = array<i32>} : memref<128x128xf32, #tpu.memory_space<vmem>>, vector<16xf32>,
      %parallel_loop3A_194 = arith.index_cast %parallel_loop3A_168 : i32 to index
      %parallel_loop3A_195 = arith.constant 48 : index
      %parallel_loop3A_196 = tpu.vector_load %arg17[%parallel_loop3A_194, %parallel_loop3A_195] {strides = array<i32>} : memref<128x128xf32, #tpu.memory_space<vmem>>, vector<16xf32>,
      %parallel_loop3A_197 = arith.mulf %parallel_loop3A_193, %parallel_loop3A_196 : vector<16xf32>
      %parallel_loop3A_198 = arith.addf %parallel_loop3A_182, %parallel_loop3A_197 : vector<16xf32>
      %parallel_loop3A_199 = arith.index_cast %parallel_loop3A_168 : i32 to index
      %parallel_loop3A_200 = arith.constant 64 : index
      %parallel_loop3A_201 = tpu.vector_load %arg16[%parallel_loop3A_199, %parallel_loop3A_200] {strides = array<i32>} : memref<128x128xf32, #tpu.memory_space<vmem>>, vector<16xf32>,
      %parallel_loop3A_202 = arith.index_cast %parallel_loop3A_168 : i32 to index
      %parallel_loop3A_203 = arith.constant 64 : index
      %parallel_loop3A_204 = tpu.vector_load %arg17[%parallel_loop3A_202, %parallel_loop3A_203] {strides = array<i32>} : memref<128x128xf32, #tpu.memory_space<vmem>>, vector<16xf32>,
      %parallel_loop3A_205 = arith.mulf %parallel_loop3A_201, %parallel_loop3A_204 : vector<16xf32>
      %parallel_loop3A_206 = arith.addf %parallel_loop3A_190, %parallel_loop3A_205 : vector<16xf32>
      %parallel_loop3A_207 = arith.index_cast %parallel_loop3A_168 : i32 to index
      %parallel_loop3A_208 = arith.constant 80 : index
      %parallel_loop3A_209 = tpu.vector_load %arg16[%parallel_loop3A_207, %parallel_loop3A_208] {strides = array<i32>} : memref<128x128xf32, #tpu.memory_space<vmem>>, vector<16xf32>,
      %parallel_loop3A_210 = arith.index_cast %parallel_loop3A_168 : i32 to index
      %parallel_loop3A_211 = arith.constant 80 : index
      %parallel_loop3A_212 = tpu.vector_load %arg17[%parallel_loop3A_210, %parallel_loop3A_211] {strides = array<i32>} : memref<128x128xf32, #tpu.memory_space<vmem>>, vector<16xf32>,
      %parallel_loop3A_213 = arith.mulf %parallel_loop3A_209, %parallel_loop3A_212 : vector<16xf32>
      %parallel_loop3A_214 = arith.addf %parallel_loop3A_198, %parallel_loop3A_213 : vector<16xf32>
      %parallel_loop3A_215 = arith.index_cast %parallel_loop3A_168 : i32 to index
      %parallel_loop3A_216 = arith.constant 96 : index
      %parallel_loop3A_217 = tpu.vector_load %arg16[%parallel_loop3A_215, %parallel_loop3A_216] {strides = array<i32>} : memref<128x128xf32, #tpu.memory_space<vmem>>, vector<16xf32>,
      %parallel_loop3A_218 = arith.index_cast %parallel_loop3A_168 : i32 to index
      %parallel_loop3A_219 = arith.constant 96 : index
      %parallel_loop3A_220 = tpu.vector_load %arg17[%parallel_loop3A_218, %parallel_loop3A_219] {strides = array<i32>} : memref<128x128xf32, #tpu.memory_space<vmem>>, vector<16xf32>,
      %parallel_loop3A_221 = arith.mulf %parallel_loop3A_217, %parallel_loop3A_220 : vector<16xf32>
      %parallel_loop3A_222 = arith.addf %parallel_loop3A_206, %parallel_loop3A_221 : vector<16xf32>
      %parallel_loop3A_223 = arith.index_cast %parallel_loop3A_168 : i32 to index
      %parallel_loop3A_224 = arith.constant 112 : index
      %parallel_loop3A_225 = tpu.vector_load %arg16[%parallel_loop3A_223, %parallel_loop3A_224] {strides = array<i32>} : memref<128x128xf32, #tpu.memory_space<vmem>>, vector<16xf32>,
      %parallel_loop3A_226 = arith.index_cast %parallel_loop3A_168 : i32 to index
      %parallel_loop3A_227 = arith.constant 112 : index
      %parallel_loop3A_228 = tpu.vector_load %arg17[%parallel_loop3A_226, %parallel_loop3A_227] {strides = array<i32>} : memref<128x128xf32, #tpu.memory_space<vmem>>, vector<16xf32>,
      %parallel_loop3A_229 = arith.mulf %parallel_loop3A_225, %parallel_loop3A_228 : vector<16xf32>
      %parallel_loop3A_230 = arith.addf %parallel_loop3A_214, %parallel_loop3A_229 : vector<16xf32>
      %parallel_loop3A_231 = arith.addf %parallel_loop3A_222, %parallel_loop3A_230 : vector<16xf32>
      %parallel_loop3A_232 = arith.constant 0 : i32
      %parallel_loop3A_233 = vector.broadcast %parallel_loop3A_232 : i32 to vector<16xi32>
      %parallel_loop3A_234 = arith.cmpi slt, %xor3A_12, %parallel_loop3A_233 : vector<16xi32>
      %parallel_loop3A_235 = arith.constant 16 : i32
      %parallel_loop3A_236 = vector.broadcast %parallel_loop3A_235 : i32 to vector<16xi32>
      %parallel_loop3A_237 = arith.addi %xor3A_12, %parallel_loop3A_236 : vector<16xi32>
      %parallel_loop3A_238 = arith.select %parallel_loop3A_234, %parallel_loop3A_237, %xor3A_12 : vector<16xi1>, vector<16xi32>
      %parallel_loop3A_239 = vector.shape_cast %parallel_loop3A_238 : vector<16xi32> to vector<16x1xi32>
      %parallel_loop3A_240 = vector.shape_cast %parallel_loop3A_239 : vector<16x1xi32> to vector<16xi32>
      %parallel_loop3A_241 = tpu.dynamic_gather %parallel_loop3A_231[%parallel_loop3A_240] in [0] : vector<16xf32>, vector<16xi32> -> vector<16xf32>
      %parallel_loop3A_242 = arith.addf %parallel_loop3A_231, %parallel_loop3A_241 : vector<16xf32>
      %parallel_loop3A_243 = arith.constant 0 : i32
      %parallel_loop3A_244 = vector.broadcast %parallel_loop3A_243 : i32 to vector<16xi32>
      %parallel_loop3A_245 = arith.cmpi slt, %xor3A_15, %parallel_loop3A_244 : vector<16xi32>
      %parallel_loop3A_246 = arith.constant 16 : i32
      %parallel_loop3A_247 = vector.broadcast %parallel_loop3A_246 : i32 to vector<16xi32>
      %parallel_loop3A_248 = arith.addi %xor3A_15, %parallel_loop3A_247 : vector<16xi32>
      %parallel_loop3A_249 = arith.select %parallel_loop3A_245, %parallel_loop3A_248, %xor3A_15 : vector<16xi1>, vector<16xi32>
      %parallel_loop3A_250 = vector.shape_cast %parallel_loop3A_249 : vector<16xi32> to vector<16x1xi32>
      %parallel_loop3A_251 = vector.shape_cast %parallel_loop3A_250 : vector<16x1xi32> to vector<16xi32>
      %parallel_loop3A_252 = tpu.dynamic_gather %parallel_loop3A_242[%parallel_loop3A_251] in [0] : vector<16xf32>, vector<16xi32> -> vector<16xf32>
      %parallel_loop3A_253 = arith.addf %parallel_loop3A_242, %parallel_loop3A_252 : vector<16xf32>
      %parallel_loop3A_254 = arith.constant 0 : i32
      %parallel_loop3A_255 = vector.broadcast %parallel_loop3A_254 : i32 to vector<16xi32>
      %parallel_loop3A_256 = arith.cmpi slt, %xor3A_18, %parallel_loop3A_255 : vector<16xi32>
      %parallel_loop3A_257 = arith.constant 16 : i32
      %parallel_loop3A_258 = vector.broadcast %parallel_loop3A_257 : i32 to vector<16xi32>
      %parallel_loop3A_259 = arith.addi %xor3A_18, %parallel_loop3A_258 : vector<16xi32>
      %parallel_loop3A_260 = arith.select %parallel_loop3A_256, %parallel_loop3A_259, %xor3A_18 : vector<16xi1>, vector<16xi32>
      %parallel_loop3A_261 = vector.shape_cast %parallel_loop3A_260 : vector<16xi32> to vector<16x1xi32>
      %parallel_loop3A_262 = vector.shape_cast %parallel_loop3A_261 : vector<16x1xi32> to vector<16xi32>
      %parallel_loop3A_263 = tpu.dynamic_gather %parallel_loop3A_253[%parallel_loop3A_262] in [0] : vector<16xf32>, vector<16xi32> -> vector<16xf32>
      %parallel_loop3A_264 = arith.addf %parallel_loop3A_253, %parallel_loop3A_263 : vector<16xf32>
      %parallel_loop3A_265 = arith.constant 0 : i32
      %parallel_loop3A_266 = vector.broadcast %parallel_loop3A_265 : i32 to vector<16xi32>
      %parallel_loop3A_267 = arith.cmpi slt, %xor3A_21, %parallel_loop3A_266 : vector<16xi32>
      %parallel_loop3A_268 = arith.constant 16 : i32
      %parallel_loop3A_269 = vector.broadcast %parallel_loop3A_268 : i32 to vector<16xi32>
      %parallel_loop3A_270 = arith.addi %xor3A_21, %parallel_loop3A_269 : vector<16xi32>
      %parallel_loop3A_271 = arith.select %parallel_loop3A_267, %parallel_loop3A_270, %xor3A_21 : vector<16xi1>, vector<16xi32>
      %parallel_loop3A_272 = vector.shape_cast %parallel_loop3A_271 : vector<16xi32> to vector<16x1xi32>
      %parallel_loop3A_273 = vector.shape_cast %parallel_loop3A_272 : vector<16x1xi32> to vector<16xi32>
      %parallel_loop3A_274 = tpu.dynamic_gather %parallel_loop3A_264[%parallel_loop3A_273] in [0] : vector<16xf32>, vector<16xi32> -> vector<16xf32>
      %parallel_loop3A_275 = arith.addf %parallel_loop3A_264, %parallel_loop3A_274 : vector<16xf32>
      %parallel_loop3A_276 = arith.constant 256 : i32
      %parallel_loop3A_277 = arith.addi %parallel_loop3A_276, %parallel_loop3A_168 : i32
      %parallel_loop3A_278 = vector.broadcast %parallel_loop3A_277 : i32 to vector<16xi32>
      tpu.vector_store_idx %arg11[%parallel_loop3A_278], %parallel_loop3A_275 masked %eq3A_23 : memref<512xf32, #tpu.memory_space<vmem>>[vector<16xi32>], vector<16xf32>, vector<16xi1>
    } {sc.loop_unroll_factor = 4 : i64, sc.parallel_access}
    %dma_wait3A_144 = arith.constant 0 : i32
    %dma_wait3A_145 = arith.constant 0 : i32
    %dma_wait3A_146 = tpu.memref_slice %arg12[%dma_wait3A_144, %dma_wait3A_145] : memref<128x128xf32, #tpu.memory_space<vmem>> -> memref<128x128xf32, #tpu.memory_space<vmem>>
    %dma_wait3A_147 = arith.constant 384 : i32
    %dma_wait3A_148 = tpu.memref_slice %arg8[%dma_wait3A_147] : memref<512xi32, #tpu.memory_space<vmem>> -> memref<128xi32, #tpu.memory_space<vmem>>
    %dma_wait3A_149 = arith.constant 0 : i32
    %dma_wait3A_150 = arith.constant 0 : i32
    %dma_wait3A_151 = tpu.memref_slice %arg5[%dma_wait3A_149, %dma_wait3A_150] : memref<100000x128xf32, #tpu.memory_space<hbm>> -> memref<100000x128xf32, #tpu.memory_space<hbm>>
    tpu.wait_indirect_dma semaphore(%arg18 : memref<!tpu.dma_semaphore, #tpu.memory_space<semaphore_mem>>) src(%dma_wait3A_151 : memref<100000x128xf32, #tpu.memory_space<hbm>>) dst(%dma_wait3A_146 : memref<128x128xf32, #tpu.memory_space<vmem>>)
    %dma_wait3A_152 = arith.constant 0 : i32
    %dma_wait3A_153 = arith.constant 0 : i32
    %dma_wait3A_154 = tpu.memref_slice %arg13[%dma_wait3A_152, %dma_wait3A_153] : memref<128x128xf32, #tpu.memory_space<vmem>> -> memref<128x128xf32, #tpu.memory_space<vmem>>
    %dma_wait3A_155 = arith.constant 384 : i32
    %dma_wait3A_156 = tpu.memref_slice %arg9[%dma_wait3A_155] : memref<512xi32, #tpu.memory_space<vmem>> -> memref<128xi32, #tpu.memory_space<vmem>>
    %dma_wait3A_157 = arith.constant 0 : i32
    %dma_wait3A_158 = arith.constant 0 : i32
    %dma_wait3A_159 = tpu.memref_slice %arg6[%dma_wait3A_157, %dma_wait3A_158] : memref<100000x128xf32, #tpu.memory_space<hbm>> -> memref<100000x128xf32, #tpu.memory_space<hbm>>
    tpu.wait_indirect_dma semaphore(%arg19 : memref<!tpu.dma_semaphore, #tpu.memory_space<semaphore_mem>>) src(%dma_wait3A_159 : memref<100000x128xf32, #tpu.memory_space<hbm>>) dst(%dma_wait3A_154 : memref<128x128xf32, #tpu.memory_space<vmem>>)
    %parallel_loop3A_160 = arith.constant 0 : i32
    %parallel_loop3A_161 = arith.constant 128 : i32
    %parallel_loop3A_162 = arith.constant 1 : i32
    scf.for %parallel_loop3A_168 = %parallel_loop3A_160 to %parallel_loop3A_161 step %parallel_loop3A_162  : i32 {
      %parallel_loop3A_169 = arith.index_cast %parallel_loop3A_168 : i32 to index
      %parallel_loop3A_170 = arith.constant 0 : index
      %parallel_loop3A_171 = tpu.vector_load %arg12[%parallel_loop3A_169, %parallel_loop3A_170] {strides = array<i32>} : memref<128x128xf32, #tpu.memory_space<vmem>>, vector<16xf32>,
      %parallel_loop3A_172 = arith.index_cast %parallel_loop3A_168 : i32 to index
      %parallel_loop3A_173 = arith.constant 0 : index
      %parallel_loop3A_174 = tpu.vector_load %arg13[%parallel_loop3A_172, %parallel_loop3A_173] {strides = array<i32>} : memref<128x128xf32, #tpu.memory_space<vmem>>, vector<16xf32>,
      %parallel_loop3A_175 = arith.mulf %parallel_loop3A_171, %parallel_loop3A_174 : vector<16xf32>
      %parallel_loop3A_176 = arith.index_cast %parallel_loop3A_168 : i32 to index
      %parallel_loop3A_177 = arith.constant 16 : index
      %parallel_loop3A_178 = tpu.vector_load %arg12[%parallel_loop3A_176, %parallel_loop3A_177] {strides = array<i32>} : memref<128x128xf32, #tpu.memory_space<vmem>>, vector<16xf32>,
      %parallel_loop3A_179 = arith.index_cast %parallel_loop3A_168 : i32 to index
      %parallel_loop3A_180 = arith.constant 16 : index
      %parallel_loop3A_181 = tpu.vector_load %arg13[%parallel_loop3A_179, %parallel_loop3A_180] {strides = array<i32>} : memref<128x128xf32, #tpu.memory_space<vmem>>, vector<16xf32>,
      %parallel_loop3A_182 = arith.mulf %parallel_loop3A_178, %parallel_loop3A_181 : vector<16xf32>
      %parallel_loop3A_183 = arith.index_cast %parallel_loop3A_168 : i32 to index
      %parallel_loop3A_184 = arith.constant 32 : index
      %parallel_loop3A_185 = tpu.vector_load %arg12[%parallel_loop3A_183, %parallel_loop3A_184] {strides = array<i32>} : memref<128x128xf32, #tpu.memory_space<vmem>>, vector<16xf32>,
      %parallel_loop3A_186 = arith.index_cast %parallel_loop3A_168 : i32 to index
      %parallel_loop3A_187 = arith.constant 32 : index
      %parallel_loop3A_188 = tpu.vector_load %arg13[%parallel_loop3A_186, %parallel_loop3A_187] {strides = array<i32>} : memref<128x128xf32, #tpu.memory_space<vmem>>, vector<16xf32>,
      %parallel_loop3A_189 = arith.mulf %parallel_loop3A_185, %parallel_loop3A_188 : vector<16xf32>
      %parallel_loop3A_190 = arith.addf %parallel_loop3A_175, %parallel_loop3A_189 : vector<16xf32>
      %parallel_loop3A_191 = arith.index_cast %parallel_loop3A_168 : i32 to index
      %parallel_loop3A_192 = arith.constant 48 : index
      %parallel_loop3A_193 = tpu.vector_load %arg12[%parallel_loop3A_191, %parallel_loop3A_192] {strides = array<i32>} : memref<128x128xf32, #tpu.memory_space<vmem>>, vector<16xf32>,
      %parallel_loop3A_194 = arith.index_cast %parallel_loop3A_168 : i32 to index
      %parallel_loop3A_195 = arith.constant 48 : index
      %parallel_loop3A_196 = tpu.vector_load %arg13[%parallel_loop3A_194, %parallel_loop3A_195] {strides = array<i32>} : memref<128x128xf32, #tpu.memory_space<vmem>>, vector<16xf32>,
      %parallel_loop3A_197 = arith.mulf %parallel_loop3A_193, %parallel_loop3A_196 : vector<16xf32>
      %parallel_loop3A_198 = arith.addf %parallel_loop3A_182, %parallel_loop3A_197 : vector<16xf32>
      %parallel_loop3A_199 = arith.index_cast %parallel_loop3A_168 : i32 to index
      %parallel_loop3A_200 = arith.constant 64 : index
      %parallel_loop3A_201 = tpu.vector_load %arg12[%parallel_loop3A_199, %parallel_loop3A_200] {strides = array<i32>} : memref<128x128xf32, #tpu.memory_space<vmem>>, vector<16xf32>,
      %parallel_loop3A_202 = arith.index_cast %parallel_loop3A_168 : i32 to index
      %parallel_loop3A_203 = arith.constant 64 : index
      %parallel_loop3A_204 = tpu.vector_load %arg13[%parallel_loop3A_202, %parallel_loop3A_203] {strides = array<i32>} : memref<128x128xf32, #tpu.memory_space<vmem>>, vector<16xf32>,
      %parallel_loop3A_205 = arith.mulf %parallel_loop3A_201, %parallel_loop3A_204 : vector<16xf32>
      %parallel_loop3A_206 = arith.addf %parallel_loop3A_190, %parallel_loop3A_205 : vector<16xf32>
      %parallel_loop3A_207 = arith.index_cast %parallel_loop3A_168 : i32 to index
      %parallel_loop3A_208 = arith.constant 80 : index
      %parallel_loop3A_209 = tpu.vector_load %arg12[%parallel_loop3A_207, %parallel_loop3A_208] {strides = array<i32>} : memref<128x128xf32, #tpu.memory_space<vmem>>, vector<16xf32>,
      %parallel_loop3A_210 = arith.index_cast %parallel_loop3A_168 : i32 to index
      %parallel_loop3A_211 = arith.constant 80 : index
      %parallel_loop3A_212 = tpu.vector_load %arg13[%parallel_loop3A_210, %parallel_loop3A_211] {strides = array<i32>} : memref<128x128xf32, #tpu.memory_space<vmem>>, vector<16xf32>,
      %parallel_loop3A_213 = arith.mulf %parallel_loop3A_209, %parallel_loop3A_212 : vector<16xf32>
      %parallel_loop3A_214 = arith.addf %parallel_loop3A_198, %parallel_loop3A_213 : vector<16xf32>
      %parallel_loop3A_215 = arith.index_cast %parallel_loop3A_168 : i32 to index
      %parallel_loop3A_216 = arith.constant 96 : index
      %parallel_loop3A_217 = tpu.vector_load %arg12[%parallel_loop3A_215, %parallel_loop3A_216] {strides = array<i32>} : memref<128x128xf32, #tpu.memory_space<vmem>>, vector<16xf32>,
      %parallel_loop3A_218 = arith.index_cast %parallel_loop3A_168 : i32 to index
      %parallel_loop3A_219 = arith.constant 96 : index
      %parallel_loop3A_220 = tpu.vector_load %arg13[%parallel_loop3A_218, %parallel_loop3A_219] {strides = array<i32>} : memref<128x128xf32, #tpu.memory_space<vmem>>, vector<16xf32>,
      %parallel_loop3A_221 = arith.mulf %parallel_loop3A_217, %parallel_loop3A_220 : vector<16xf32>
      %parallel_loop3A_222 = arith.addf %parallel_loop3A_206, %parallel_loop3A_221 : vector<16xf32>
      %parallel_loop3A_223 = arith.index_cast %parallel_loop3A_168 : i32 to index
      %parallel_loop3A_224 = arith.constant 112 : index
      %parallel_loop3A_225 = tpu.vector_load %arg12[%parallel_loop3A_223, %parallel_loop3A_224] {strides = array<i32>} : memref<128x128xf32, #tpu.memory_space<vmem>>, vector<16xf32>,
      %parallel_loop3A_226 = arith.index_cast %parallel_loop3A_168 : i32 to index
      %parallel_loop3A_227 = arith.constant 112 : index
      %parallel_loop3A_228 = tpu.vector_load %arg13[%parallel_loop3A_226, %parallel_loop3A_227] {strides = array<i32>} : memref<128x128xf32, #tpu.memory_space<vmem>>, vector<16xf32>,
      %parallel_loop3A_229 = arith.mulf %parallel_loop3A_225, %parallel_loop3A_228 : vector<16xf32>
      %parallel_loop3A_230 = arith.addf %parallel_loop3A_214, %parallel_loop3A_229 : vector<16xf32>
      %parallel_loop3A_231 = arith.addf %parallel_loop3A_222, %parallel_loop3A_230 : vector<16xf32>
      %parallel_loop3A_232 = arith.constant 0 : i32
      %parallel_loop3A_233 = vector.broadcast %parallel_loop3A_232 : i32 to vector<16xi32>
      %parallel_loop3A_234 = arith.cmpi slt, %xor3A_12, %parallel_loop3A_233 : vector<16xi32>
      %parallel_loop3A_235 = arith.constant 16 : i32
      %parallel_loop3A_236 = vector.broadcast %parallel_loop3A_235 : i32 to vector<16xi32>
      %parallel_loop3A_237 = arith.addi %xor3A_12, %parallel_loop3A_236 : vector<16xi32>
      %parallel_loop3A_238 = arith.select %parallel_loop3A_234, %parallel_loop3A_237, %xor3A_12 : vector<16xi1>, vector<16xi32>
      %parallel_loop3A_239 = vector.shape_cast %parallel_loop3A_238 : vector<16xi32> to vector<16x1xi32>
      %parallel_loop3A_240 = vector.shape_cast %parallel_loop3A_239 : vector<16x1xi32> to vector<16xi32>
      %parallel_loop3A_241 = tpu.dynamic_gather %parallel_loop3A_231[%parallel_loop3A_240] in [0] : vector<16xf32>, vector<16xi32> -> vector<16xf32>
      %parallel_loop3A_242 = arith.addf %parallel_loop3A_231, %parallel_loop3A_241 : vector<16xf32>
      %parallel_loop3A_243 = arith.constant 0 : i32
      %parallel_loop3A_244 = vector.broadcast %parallel_loop3A_243 : i32 to vector<16xi32>
      %parallel_loop3A_245 = arith.cmpi slt, %xor3A_15, %parallel_loop3A_244 : vector<16xi32>
      %parallel_loop3A_246 = arith.constant 16 : i32
      %parallel_loop3A_247 = vector.broadcast %parallel_loop3A_246 : i32 to vector<16xi32>
      %parallel_loop3A_248 = arith.addi %xor3A_15, %parallel_loop3A_247 : vector<16xi32>
      %parallel_loop3A_249 = arith.select %parallel_loop3A_245, %parallel_loop3A_248, %xor3A_15 : vector<16xi1>, vector<16xi32>
      %parallel_loop3A_250 = vector.shape_cast %parallel_loop3A_249 : vector<16xi32> to vector<16x1xi32>
      %parallel_loop3A_251 = vector.shape_cast %parallel_loop3A_250 : vector<16x1xi32> to vector<16xi32>
      %parallel_loop3A_252 = tpu.dynamic_gather %parallel_loop3A_242[%parallel_loop3A_251] in [0] : vector<16xf32>, vector<16xi32> -> vector<16xf32>
      %parallel_loop3A_253 = arith.addf %parallel_loop3A_242, %parallel_loop3A_252 : vector<16xf32>
      %parallel_loop3A_254 = arith.constant 0 : i32
      %parallel_loop3A_255 = vector.broadcast %parallel_loop3A_254 : i32 to vector<16xi32>
      %parallel_loop3A_256 = arith.cmpi slt, %xor3A_18, %parallel_loop3A_255 : vector<16xi32>
      %parallel_loop3A_257 = arith.constant 16 : i32
      %parallel_loop3A_258 = vector.broadcast %parallel_loop3A_257 : i32 to vector<16xi32>
      %parallel_loop3A_259 = arith.addi %xor3A_18, %parallel_loop3A_258 : vector<16xi32>
      %parallel_loop3A_260 = arith.select %parallel_loop3A_256, %parallel_loop3A_259, %xor3A_18 : vector<16xi1>, vector<16xi32>
      %parallel_loop3A_261 = vector.shape_cast %parallel_loop3A_260 : vector<16xi32> to vector<16x1xi32>
      %parallel_loop3A_262 = vector.shape_cast %parallel_loop3A_261 : vector<16x1xi32> to vector<16xi32>
      %parallel_loop3A_263 = tpu.dynamic_gather %parallel_loop3A_253[%parallel_loop3A_262] in [0] : vector<16xf32>, vector<16xi32> -> vector<16xf32>
      %parallel_loop3A_264 = arith.addf %parallel_loop3A_253, %parallel_loop3A_263 : vector<16xf32>
      %parallel_loop3A_265 = arith.constant 0 : i32
      %parallel_loop3A_266 = vector.broadcast %parallel_loop3A_265 : i32 to vector<16xi32>
      %parallel_loop3A_267 = arith.cmpi slt, %xor3A_21, %parallel_loop3A_266 : vector<16xi32>
      %parallel_loop3A_268 = arith.constant 16 : i32
      %parallel_loop3A_269 = vector.broadcast %parallel_loop3A_268 : i32 to vector<16xi32>
      %parallel_loop3A_270 = arith.addi %xor3A_21, %parallel_loop3A_269 : vector<16xi32>
      %parallel_loop3A_271 = arith.select %parallel_loop3A_267, %parallel_loop3A_270, %xor3A_21 : vector<16xi1>, vector<16xi32>
      %parallel_loop3A_272 = vector.shape_cast %parallel_loop3A_271 : vector<16xi32> to vector<16x1xi32>
      %parallel_loop3A_273 = vector.shape_cast %parallel_loop3A_272 : vector<16x1xi32> to vector<16xi32>
      %parallel_loop3A_274 = tpu.dynamic_gather %parallel_loop3A_264[%parallel_loop3A_273] in [0] : vector<16xf32>, vector<16xi32> -> vector<16xf32>
      %parallel_loop3A_275 = arith.addf %parallel_loop3A_264, %parallel_loop3A_274 : vector<16xf32>
      %parallel_loop3A_276 = arith.constant 384 : i32
      %parallel_loop3A_277 = arith.addi %parallel_loop3A_276, %parallel_loop3A_168 : i32
      %parallel_loop3A_278 = vector.broadcast %parallel_loop3A_277 : i32 to vector<16xi32>
      tpu.vector_store_idx %arg11[%parallel_loop3A_278], %parallel_loop3A_275 masked %eq3A_23 : memref<512xf32, #tpu.memory_space<vmem>>[vector<16xi32>], vector<16xf32>, vector<16xi1>
    } {sc.loop_unroll_factor = 4 : i64, sc.parallel_access}
    %dma_wait3A_163 = tpu.memref_slice %arg4[%mul3A_2] : memref<16384xf32, #tpu.memory_space<hbm>> -> memref<512xf32, #tpu.memory_space<hbm>>
    %dma_wait3A_164 = tpu.memref_slice %arg4[%mul3A_2] : memref<16384xf32, #tpu.memory_space<hbm>> -> memref<512xf32, #tpu.memory_space<hbm>>
    tpu.wait_dma2 semaphore(%arg25 : memref<!tpu.dma_semaphore, #tpu.memory_space<semaphore_mem>>) src(%dma_wait3A_164 : memref<512xf32, #tpu.memory_space<hbm>>) dst(%arg10 : memref<512xf32, #tpu.memory_space<vmem>>)
    %parallel_loop3A_165 = arith.constant 0 : i32
    %parallel_loop3A_166 = arith.constant 32 : i32
    %parallel_loop3A_167 = arith.constant 1 : i32
    scf.for %parallel_loop3A_168 = %parallel_loop3A_165 to %parallel_loop3A_166 step %parallel_loop3A_167  : i32 {
      %parallel_loop3A_169 = arith.constant 16 : i32
      %parallel_loop3A_170 = arith.muli %parallel_loop3A_168, %parallel_loop3A_169 : i32
      %parallel_loop3A_171 = tpu.assume_multiple %parallel_loop3A_170, 16 : i32
      %parallel_loop3A_172 = arith.index_cast %parallel_loop3A_171 : i32 to index
      %parallel_loop3A_173 = tpu.vector_load %arg10[%parallel_loop3A_172] {strides = array<i32>} : memref<512xf32, #tpu.memory_space<vmem>>, vector<16xf32>,
      %parallel_loop3A_174 = arith.index_cast %parallel_loop3A_171 : i32 to index
      %parallel_loop3A_175 = tpu.vector_load %arg11[%parallel_loop3A_174] {strides = array<i32>} : memref<512xf32, #tpu.memory_space<vmem>>, vector<16xf32>,
      %parallel_loop3A_176 = arith.mulf %parallel_loop3A_173, %parallel_loop3A_175 : vector<16xf32>
      %parallel_loop3A_177 = math.absf %parallel_loop3A_176 : vector<16xf32>
      %parallel_loop3A_178 = arith.constant 0.000000e+00 : f32
      %parallel_loop3A_179 = vector.broadcast %parallel_loop3A_178 : f32 to vector<16xf32>
      %parallel_loop3A_180 = arith.subf %parallel_loop3A_179, %parallel_loop3A_177 : vector<16xf32>
      %parallel_loop3A_181 = math.exp %parallel_loop3A_180 : vector<16xf32>
      %parallel_loop3A_182 = arith.constant 0.000000e+00 : f32
      %parallel_loop3A_183 = vector.broadcast %parallel_loop3A_182 : f32 to vector<16xf32>
      %parallel_loop3A_184 = arith.subf %parallel_loop3A_183, %parallel_loop3A_176 : vector<16xf32>
      %parallel_loop3A_185 = arith.constant 0.000000e+00 : f32
      %parallel_loop3A_186 = vector.broadcast %parallel_loop3A_185 : f32 to vector<16xf32>
      %parallel_loop3A_187 = arith.maximumf %parallel_loop3A_184, %parallel_loop3A_186 : vector<16xf32>
      %parallel_loop3A_188 = arith.constant 0.00144611264 : f32
      %parallel_loop3A_189 = vector.broadcast %parallel_loop3A_188 : f32 to vector<16xf32>
      %parallel_loop3A_190 = arith.mulf %parallel_loop3A_189, %parallel_loop3A_181 : vector<16xf32>
      %parallel_loop3A_191 = arith.constant -0.0102714747 : f32
      %parallel_loop3A_192 = vector.broadcast %parallel_loop3A_191 : f32 to vector<16xf32>
      %parallel_loop3A_193 = arith.addf %parallel_loop3A_190, %parallel_loop3A_192 : vector<16xf32>
      %parallel_loop3A_194 = arith.mulf %parallel_loop3A_193, %parallel_loop3A_181 : vector<16xf32>
      %parallel_loop3A_195 = arith.constant 0.0342317447 : f32
      %parallel_loop3A_196 = vector.broadcast %parallel_loop3A_195 : f32 to vector<16xf32>
      %parallel_loop3A_197 = arith.addf %parallel_loop3A_194, %parallel_loop3A_196 : vector<16xf32>
      %parallel_loop3A_198 = arith.mulf %parallel_loop3A_197, %parallel_loop3A_181 : vector<16xf32>
      %parallel_loop3A_199 = arith.constant -0.0730176494 : f32
      %parallel_loop3A_200 = vector.broadcast %parallel_loop3A_199 : f32 to vector<16xf32>
      %parallel_loop3A_201 = arith.addf %parallel_loop3A_198, %parallel_loop3A_200 : vector<16xf32>
      %parallel_loop3A_202 = arith.mulf %parallel_loop3A_201, %parallel_loop3A_181 : vector<16xf32>
      %parallel_loop3A_203 = arith.constant 0.116612464 : f32
      %parallel_loop3A_204 = vector.broadcast %parallel_loop3A_203 : f32 to vector<16xf32>
      %parallel_loop3A_205 = arith.addf %parallel_loop3A_202, %parallel_loop3A_204 : vector<16xf32>
      %parallel_loop3A_206 = arith.mulf %parallel_loop3A_205, %parallel_loop3A_181 : vector<16xf32>
      %parallel_loop3A_207 = arith.constant -0.157173797 : f32
      %parallel_loop3A_208 = vector.broadcast %parallel_loop3A_207 : f32 to vector<16xf32>
      %parallel_loop3A_209 = arith.addf %parallel_loop3A_206, %parallel_loop3A_208 : vector<16xf32>
      %parallel_loop3A_210 = arith.mulf %parallel_loop3A_209, %parallel_loop3A_181 : vector<16xf32>
      %parallel_loop3A_211 = arith.constant 0.197639152 : f32
      %parallel_loop3A_212 = vector.broadcast %parallel_loop3A_211 : f32 to vector<16xf32>
      %parallel_loop3A_213 = arith.addf %parallel_loop3A_210, %parallel_loop3A_212 : vector<16xf32>
      %parallel_loop3A_214 = arith.mulf %parallel_loop3A_213, %parallel_loop3A_181 : vector<16xf32>
      %parallel_loop3A_215 = arith.constant -0.249617279 : f32
      %parallel_loop3A_216 = vector.broadcast %parallel_loop3A_215 : f32 to vector<16xf32>
      %parallel_loop3A_217 = arith.addf %parallel_loop3A_214, %parallel_loop3A_216 : vector<16xf32>
      %parallel_loop3A_218 = arith.mulf %parallel_loop3A_217, %parallel_loop3A_181 : vector<16xf32>
      %parallel_loop3A_219 = arith.constant 0.333296031 : f32
      %parallel_loop3A_220 = vector.broadcast %parallel_loop3A_219 : f32 to vector<16xf32>
      %parallel_loop3A_221 = arith.addf %parallel_loop3A_218, %parallel_loop3A_220 : vector<16xf32>
      %parallel_loop3A_222 = arith.mulf %parallel_loop3A_221, %parallel_loop3A_181 : vector<16xf32>
      %parallel_loop3A_223 = arith.constant -0.499998093 : f32
      %parallel_loop3A_224 = vector.broadcast %parallel_loop3A_223 : f32 to vector<16xf32>
      %parallel_loop3A_225 = arith.addf %parallel_loop3A_222, %parallel_loop3A_224 : vector<16xf32>
      %parallel_loop3A_226 = arith.mulf %parallel_loop3A_225, %parallel_loop3A_181 : vector<16xf32>
      %parallel_loop3A_227 = arith.constant 0.99999994 : f32
      %parallel_loop3A_228 = vector.broadcast %parallel_loop3A_227 : f32 to vector<16xf32>
      %parallel_loop3A_229 = arith.addf %parallel_loop3A_226, %parallel_loop3A_228 : vector<16xf32>
      %parallel_loop3A_230 = arith.mulf %parallel_loop3A_229, %parallel_loop3A_181 : vector<16xf32>
      %parallel_loop3A_231 = arith.constant 0.000000e+00 : f32
      %parallel_loop3A_232 = vector.broadcast %parallel_loop3A_231 : f32 to vector<16xf32>
      %parallel_loop3A_233 = arith.addf %parallel_loop3A_230, %parallel_loop3A_232 : vector<16xf32>
      %parallel_loop3A_234 = arith.addf %parallel_loop3A_187, %parallel_loop3A_233 : vector<16xf32>
      %parallel_loop3A_235 = arith.index_cast %parallel_loop3A_171 : i32 to index
      %parallel_loop3A_236 = tpu.vector_load %arg11[%parallel_loop3A_235] {strides = array<i32>} : memref<512xf32, #tpu.memory_space<vmem>>, vector<16xf32>,
      tpu.vector_store %arg11[%parallel_loop3A_235], %parallel_loop3A_234 {strides = array<i32>} : memref<512xf32, #tpu.memory_space<vmem>>, vector<16xf32>,
    } {sc.loop_unroll_factor = 4 : i64, sc.parallel_access}
    "tpu.region"() ({
      %run_scoped3A = tpu.sem_alloc : memref<!tpu.dma_semaphore, #tpu.memory_space<semaphore_mem>>
      %dma_start3A_168 = tpu.memref_slice %arg7[%mul3A_2] : memref<16384xf32, #tpu.memory_space<hbm>> -> memref<512xf32, #tpu.memory_space<hbm>>
      %dma_start3A_169 = tpu.memref_slice %arg7[%mul3A_2] : memref<16384xf32, #tpu.memory_space<hbm>> -> memref<512xf32, #tpu.memory_space<hbm>>
      tpu.enqueue_dma source(%arg11 : memref<512xf32, #tpu.memory_space<vmem>>) target(%dma_start3A_169 : memref<512xf32, #tpu.memory_space<hbm>>) target_semaphore(%run_scoped3A : memref<!tpu.dma_semaphore, #tpu.memory_space<semaphore_mem>>)
      %dma_wait3A_170 = tpu.memref_slice %arg7[%mul3A_2] : memref<16384xf32, #tpu.memory_space<hbm>> -> memref<512xf32, #tpu.memory_space<hbm>>
      %dma_wait3A_171 = tpu.memref_slice %arg7[%mul3A_2] : memref<16384xf32, #tpu.memory_space<hbm>> -> memref<512xf32, #tpu.memory_space<hbm>>
      tpu.wait_dma2 semaphore(%run_scoped3A : memref<!tpu.dma_semaphore, #tpu.memory_space<semaphore_mem>>) src(%arg11 : memref<512xf32, #tpu.memory_space<vmem>>) dst(%dma_wait3A_171 : memref<512xf32, #tpu.memory_space<hbm>>)
      tpu.yield
    }) : () -> ()
    return
  }
}

</mosaic_0001>

<sc_bundles>
// kernel: _run.3.cloned.1.call-start
scs
__scs_entry_jumppad:
0x0: {  	(pc) =	sbr.rel $0x88, $3  }
0x1: {  	(tag) =	ssettag $0x0;
	lr =	simm.s32 $0x1  }
0x2: {  	[smem:$0x3F9C] =	sst lr;
	_ =	strace $0xD0000000  }
0x3: {  	_ = 	snop  }
0x4: {  	_ = 	snop  }
0x5: {  	_ = 	snop  }
0x6: {  	_ = 	snop  }
0x7: {  	_ = 	snop  }
__scs_overlays_trampoline_lowered:
0x8: {  	[smem:$0x3FAB] =	sst s0  }
0x9: {  	[smem:$0x3FAC] =	sst s1  }
0xa: {  	[smem:$0x3FAD] =	sst s2  }
0xb: {  	[smem:$0x3FAE] =	sst s3  }
0xc: {  	[smem:$0x3FAF] =	sst s4  }
0xd: {  	[smem:$0x3FB0] =	sst s5  }
0xe: {  	[smem:$0x3FB1] =	sst s6  }
0xf: {  	[smem:$0x3FB2] =	sst s7  }
0x10: {  	[smem:$0x3FB3] =	sst s8  }
0x11: {  	[smem:$0x3FB4] =	sst s9;
	s0 =	simm.s32 @!p0 $0x0  }
0x12: {  	s1 =	sld [smem:$0x3F9A];
	s0 =	simm.s32 @p0 $0x1  }
0x13: {  	[smem:$0x3FB5] =	sst s0;
	s0 =	simm.s32 @!p1 $0x0  }
0x14: {  	s2 =	sld [smem:$0x3F99];
	s0 =	simm.s32 @p1 $0x1  }
0x15: {  	[smem:$0x3FB6] =	sst s0;
	s0 =	simm.s32 @!p2 $0x0  }
0x16: {  	s3 =	sld [smem:$0x3FDB];
	s0 =	simm.s32 @p2 $0x1  }
0x17: {  	s4 =	simm.s32 $0x1BF5;
	[smem:$0x3FB8] =	sst s0  }
0x18: {  	s0 =	sld [smem:$0x3F9B];
	_ =	swait.ge [sflag:s4], $0x0  }
0x19: {  	s7 =	sld [smem:$0x3F9C]  }
0x1a: {  	s8 =	sadd.s32 $0xFFFFE003, lr  }
0x1b: {  	s9 =	sadd.s32 $0xFFFFFEF7, lr;
	s5 =	simm.s32 $0xFFFFFFFF;
	p2 =	slt.u32 s8, $0xFFFFF086  }
0x1c: {  	p1 =	slt.u32 s9, $0xF7A;
	s5 =	simm.s32 @!p2 $0x0  }
0x1d: {  	s5 =	simm.s32 @p1 $0x1;
	p0 =	seq.s32 s7, s2  }
0x1e: {  	s7 =	smul.u32 @!p0 $0xF7A, s2;
	p2 =	seq.s32 @!p0 s5, $0x0  }
0x1f: {  	s9 =	smul.u32 $0xF7A, s1;
	s8 =	simm.s32 @!p0 $0x1BF5;
	p2 =	por !p2, p0  }
0x20: {  	[sflag:s8] =	ssyncset.s32 @!p0 $0xFFFFF086;
	s6 =	sadd.s32 @!p0 s3, s7;
	s7 =	simm.s32 @!p0 $0x108  }
0x21: {  	s3 =	sadd.s32 s3, s9;
	s6 =	sadd.s32 @!p0 $0x88, s6;
	s7 =	simm.s32 @p2 $0x1082  }
0x22: {  	[simem:s7], [sflag:s8] =	dma.local @!p0 [hbm:s6], $0xF7A  }
0x23: {  	s9 =	sor.u32 $0xD0000000, s2;
	s6 =	simm.s32 $0x108;
	_ =	swait.ge @!p0 [sflag:s8], $0x0  }
0x24: {  	s3 =	sadd.s32 $0x88, s3;
	s6 =	simm.s32 @!p1 $0x1082;
	[sflag:s4] =	ssyncset.s32 $0xFFFFF086  }
0x25: {  	[simem:s6], [sflag:s4] =	dma.local [hbm:s3], $0xF7A  }
0x26: {  	[smem:$0x3F9C] =	sst s1;
	(tag) =	ssettag s2;
	_ =	strace s9  }
0x27: {  	s1 =	sld [smem:$0x3FAC]  }
0x28: {  	s2 =	sld [smem:$0x3FAD]  }
0x29: {  	s4 =	sld [smem:$0x3FAF]  }
0x2a: {  	p0 =	seq.s32 s5, $0x0;
	s5 =	sld [smem:$0x3FB0]  }
0x2b: {  	s6 =	sld [smem:$0x3FB1]  }
0x2c: {  	s7 =	sld [smem:$0x3FB2]  }
0x2d: {  	s3 =	simm.s32 $0x108;
	s8 =	sld [smem:$0x3FB3]  }
0x2e: {  	s3 =	simm.s32 @!p0 $0x1082;
	s9 =	sld [smem:$0x3FB4]  }
0x2f: {  	lr =	sadd.s32 s0, s3;
	s0 =	sld [smem:$0x3FAB]  }
0x30: {  	s3 =	sld [smem:$0x3FAE]  }
0x31: {  	[smem:$0x3FB7] =	sst s10  }
0x32: {  	s10 =	sld [smem:$0x3FB5];
	_ =	sdelay $0x3  }
0x33: {  	p0 =	seq.s32 s10, $0x1;
	s10 =	sld [smem:$0x3FB7];
	_ =	sdelay $0x3  }
0x34: {  	[smem:$0x3FB7] =	sst s10  }
0x35: {  	s10 =	sld [smem:$0x3FB6];
	_ =	sdelay $0x3  }
0x36: {  	p1 =	seq.s32 s10, $0x1;
	s10 =	sld [smem:$0x3FB7];
	_ =	sdelay $0x3  }
0x37: {  	[smem:$0x3FB7] =	sst s10  }
0x38: {  	s10 =	sld [smem:$0x3FB8]  }
0x39: {  	_ = 	snop;
	(pc) =	sbr.ind lr, $3  }
0x3a: {  	_ = 	snop  }
0x3b: {  	_ = 	snop  }
0x3c: {  	p2 =	seq.s32 s10, $0x1;
	s10 =	sld [smem:$0x3FB7]  }
0x3d: {  	_ =	shalt  }
0x3e: {  	_ =	shalt  }
0x3f: {  	_ =	shalt  }
0x40: {  	_ =	shalt  }
0x41: {  	_ =	shalt  }
0x42: {  	_ =	shalt  }
0x43: {  	_ =	shalt  }
0x44: {  	_ =	shalt  }
0x45: {  	_ =	shalt  }
0x46: {  	_ =	shalt  }
0x47: {  	_ =	shalt  }
0x48: {  	_ =	shalt  }
0x49: {  	_ =	shalt  }
0x4a: {  	_ =	shalt  }
0x4b: {  	_ =	shalt  }
0x4c: {  	_ =	shalt  }
0x4d: {  	_ =	shalt  }
0x4e: {  	_ =	shalt  }
0x4f: {  	_ =	shalt  }
0x50: {  	_ =	shalt  }
0x51: {  	_ =	shalt  }
0x52: {  	_ =	shalt  }
0x53: {  	_ =	shalt  }
0x54: {  	_ =	shalt  }
0x55: {  	_ =	shalt  }
0x56: {  	_ =	shalt  }
0x57: {  	_ =	shalt  }
0x58: {  	_ =	shalt  }
0x59: {  	_ =	shalt  }
0x5a: {  	_ =	shalt  }
0x5b: {  	_ =	shalt  }
0x5c: {  	_ =	shalt  }
0x5d: {  	_ =	shalt  }
0x5e: {  	_ =	shalt  }
0x5f: {  	_ =	shalt  }
0x60: {  	_ =	shalt  }
0x61: {  	_ =	shalt  }
0x62: {  	_ =	shalt  }
0x63: {  	_ =	shalt  }
0x64: {  	_ =	shalt  }
0x65: {  	_ =	shalt  }
0x66: {  	_ =	shalt  }
0x67: {  	_ =	shalt  }
0x68: {  	_ =	shalt  }
0x69: {  	_ =	shalt  }
0x6a: {  	_ =	shalt  }
0x6b: {  	_ =	shalt  }
0x6c: {  	_ =	shalt  }
0x6d: {  	_ =	shalt  }
0x6e: {  	_ =	shalt  }
0x6f: {  	_ =	shalt  }
0x70: {  	_ =	shalt  }
0x71: {  	_ =	shalt  }
0x72: {  	_ =	shalt  }
0x73: {  	_ =	shalt  }
0x74: {  	_ =	shalt  }
0x75: {  	_ =	shalt  }
0x76: {  	_ =	shalt  }
0x77: {  	_ =	shalt  }
0x78: {  	_ =	shalt  }
0x79: {  	_ =	shalt  }
0x7a: {  	_ =	shalt  }
0x7b: {  	_ =	shalt  }
0x7c: {  	_ =	shalt  }
0x7d: {  	_ =	shalt  }
0x7e: {  	_ =	shalt  }
0x7f: {  	_ =	shalt  }
0x80: {  	_ =	shalt  }
0x81: {  	_ =	shalt  }
0x82: {  	_ =	shalt  }
0x83: {  	_ =	shalt  }
0x84: {  	_ =	shalt  }
0x85: {  	_ =	shalt  }
0x86: {  	_ =	shalt  }
0x87: {  	_ =	shalt  }
.Lfunc_end0:
.L_simem_size_0:
called_computation_lowered:
.L_overlay_start_0:
0x88: {  	s2 =	sld [smem:$0x3FD9]  }
0x89: {  	s3 =	sld [smem:$0x3FFE];
	_ =	sdelay $0x1  }
0x8a: {  	s1 =	srdreg.scid  }
0x8b: {  	s0 =	sand.u32 $0x1, s1  }
0x8c: {  	s18 =	sshll.u32 s0, $0xA;
	s2 =	sadd.s32 s3, s2  }
0x8d: {  	s2 =	sadd.s32 s2, s18  }
0x8e: {  	[smem:$0x3FC3] =	sst s2  }
0x8f: {  	_ = 	snop  }
0x90: {  	s2 =	sld [smem:$0x3FC9]  }
0x91: {  	s19 =	sld [smem:$0x3FC8]  }
0x92: {  	s4 =	sld [smem:$0x3FC7]  }
0x93: {  	s5 =	sld [smem:$0x3FC6]  }
0x94: {  	s6 =	sld [smem:$0x3FC5]  }
0x95: {  	s7 =	sld [smem:$0x3FD0];
	(tm) =	ssettm $0x1  }
0x96: {  	s8 =	sld [smem:$0x3FFB];
	_ =	sdelay $0x3  }
0x97: {  	_ =	strace s8  }
0x98: {  	s8 =	sld [smem:$0x3FFC];
	_ =	sdelay $0x3  }
0x99: {  	_ =	strace s8  }
0x9a: {  	s8 =	sld [smem:$0x3FFD];
	_ =	sdelay $0x3  }
0x9b: {  	_ =	strace s8  }
0x9c: {  	_ =	strace $0x8FFFFFFF  }
0x9d: {  	s20 =	sld [smem:$0x3FDB];
	_ =	sdelay $0x1  }
0x9e: {  	s9 =	simm.s32 $_scs_section_size  }
0x9f: {  	s10 =	simm.s32 $_size__tile_overlayer_lowered;
	s11 =	simm.s32 $_tile_overlayer_lowered  }
0xa0: {  	s23 =	simm.s32 $0x1BFF;
	s22 =	sshll.u32 s11, $0x1;
	s8 =	sadd.s32 s9, s20  }
0xa1: {  	s12 =	simm.s32 $0x0;
	s21 =	sshll.u32 s10, $0x1;
	s10 =	sadd.s32 s22, s8  }
0xa2: {  	[timem:s12], [sflag:s23] =	dma.local [hbm:s10], s21  }
0xa3: {  	_ =	swait.ge [sflag:s23], s21  }
0xa4: {  	s9 =	ssub.s32 $0x0, s21;
	[sflag:s23] =	ssyncset.done $0x0  }
0xa5: {  	[sflag:s23] =	ssyncadd.s32 s9;
	_ =	sdelay $0x1  }
0xa6: {  	s24 =	simm.s32 $0x1B8B  }
0xa7: {  	_ =	swait.ge [sflag:s24], $0x1  }
0xa8: {  	[sflag:s24] =	ssyncset.done $0x0  }
0xa9: {  	s25 =	simm.s32 $0x1B8E;
	[sflag:s24] =	ssyncadd.s32 $0xFFFFFFFF  }
0xaa: {  	s26 =	simm.s32 $execute0_lowered;
	[smem:$0x3FD2] =	sst s25  }
0xab: {  	s9 =	sshll.u32 s26, $0x1;
	_ =	strace $0x80000046;
	[dreg:$0x1] =	wrdreg $0xFFFFFFFF  }
0xac: {  	s28 =	simm.s32 $_size_execute0_lowered;
	s8 =	sadd.s32 s8, s9;
	[dreg:$0x0] =	wrdreg $0x0  }
0xad: {  	s9 =	sshll.u32 s28, $0x1;
	[dreg:$0x2] =	wrdreg s8  }
0xae: {  	[dreg:$0x3] =	wrdreg s9  }
0xaf: {  	[dreg:$0x4] =	wrdreg $0xC0  }
0xb0: {  	_ =	task [dreg:s12], $0x5FFFF  }
0xb1: {  	[dreg:$0x1] =	wrdreg $0xFFFFFFFF  }
0xb2: {  	[dreg:$0x0] =	wrdreg $0x60  }
0xb3: {  	[dreg:$0x2] =	wrdreg s2  }
0xb4: {  	[dreg:$0x3] =	wrdreg s19  }
0xb5: {  	[dreg:$0x4] =	wrdreg s4  }
0xb6: {  	[dreg:$0x5] =	wrdreg s5  }
0xb7: {  	[dreg:$0x6] =	wrdreg s6  }
0xb8: {  	[dreg:$0x7] =	wrdreg s7  }
0xb9: {  	[dreg:$0x8] =	wrdreg $0x9  }
0xba: {  	_ =	task.clear_ibuf [dreg:s12], $0x9FFFF;
	_ =	strace $0x90000046  }
0xbb: {  	s29 =	simm.s32 $0x9;
	_ =	strace $0x80000048  }
0xbc: {  	_ =	swait.ge [sflag:s29], $0x1  }
0xbd: {  	[sflag:s29] =	ssyncadd.s32 $0xFFFFFFFF  }
0xbe: {  	_ =	strace $0x90000048  }
0xbf: {  	_ =	sfence  }
0xc0: {  	s30 =	sld [smem:$0x0];
	_ =	sdelay $0x2  }
0xc1: {  	s31 =	sshll.u32 s1, $0xD;
	s1 =	sshrl.u32 s1, $0x2  }
0xc2: {  	s3 =	sand.u32 $0x4000, s31;
	s1 =	sadd.s32 s1, s30  }
0xc3: {  	s0 =	sor.u32 s3, s0;
	s1 =	sshll.u32 s1, $0x11  }
0xc4: {  	s0 =	sor.u32 s1, s0  }
0xc5: {  	s0 =	sadd.s32 $0x8F2B, s0  }
0xc6: {  	[sflag:s0] =	ssyncadd.remote.s32 $0x1  }
0xc7: {  	_ =	sfence.sel $0xFFFF  }
0xc8: {  	[dreg:$0x0] =	wrdreg $0xFFFFFFFF;
	(pc) =	sbr.abs _section_cstart, $3  }
0xc9: {  	[dreg:$0x1] =	wrdreg $0xFFFFFFFF  }
0xca: {  	_ =	task.clear_ibuf [dreg:s12], $0x2FFFF;
	_ =	strace $0x9FFFFFFF  }
0xcb: {  	(tm) =	ssettm $0x7FFFFFFF  }
tec
execute0_lowered:
.L_overlay_start_1:
0x0: {  	(tag) =	ssettag $0x1  }
0x1: {  	s0 =	rddreg [dreg:$0x0]  }
0x2: {  	s3 =	rddreg [dreg:$0x1]  }
0x3: {  	s7 =	rddreg [dreg:$0x2]  }
0x4: {  	s1 =	rddreg [dreg:$0x3]  }
0x5: {  	s2 =	rddreg [dreg:$0x4]  }
0x6: {  	s8 =	rddreg [dreg:$0x5];
	s5 =	srdreg.scid;
	v0 =	vimm.s32 $0xFEDCBA98;
	v1 =	vimm.s32 $0x76543210;
	v2 =	vimm.s32 $0xBA98FEDC  }
0x7: {  	s4 =	simm.s32 $0x0;
	s10 =	stileid.u32;
	v3 =	vimm.s32 $0x32107654;
	v4 =	vimm.s32 $0xDCFE98BA;
	s12 =	simm.s32 $0x7;
	v5 =	vimm.s32 $0x54761032  }
0x8: {  	s13 =	simm.s32 $0x80;
	v6 =	vimm.s32 $0xEFCDAB89;
	v7 =	vimm.s32 $0x67452301;
	s14 =	simm.s32 $0x800;
	s15 =	simm.s32 $0x4800  }
0x9: {  	s19 =	simm.s32 $0x1;
	s20 =	simm.s32 $0x2;
	s25 =	simm.s32 $0x600;
	v0 =	vunpack.c.l.s4.s8 v0;
	v1 =	vunpack.c.l.s4.s8 v1;
	v2 =	vunpack.c.l.s4.s8 v2  }
0xa: {  	s28 =	simm.s32 $0x4;
	s29 =	simm.s32 $0x180;
	s30 =	simm.s32 $0x380;
	v3 =	vunpack.c.l.s4.s8 v3;
	v4 =	vunpack.c.l.s4.s8 v4;
	v5 =	vunpack.c.l.s4.s8 v5  }
0xb: {  	s31 =	simm.s32 $0x5;
	s16 =	simm.s32 $0x0;
	s5 =	sand.u32 $0x1, s5;
	v6 =	vunpack.c.l.s4.s8 v6;
	v7 =	vunpack.c.l.s4.s8 v7;
	v0 =	vunpack.c.0.s8.s32 v0  }
0xc: {  	[smem:$0x7FF] =	sst s4;
	s10 =	sshll.u32 s10, $0x7;
	s6 =	ssub.s32 $0x2, s5;
	v2 =	vunpack.c.0.s8.s32 v2;
	v3 =	vunpack.c.0.s8.s32 v3;
	v4 =	vunpack.c.0.s8.s32 v4  }
0xd: {  	s5 =	sshll.u32 s5, $0x6;
	_ =	strace $0x80000047;
	s9 =	sshrl.u32 s6, $0x1;
	v5 =	vunpack.c.0.s8.s32 v5;
	v6 =	vunpack.c.0.s8.s32 v6;
	v7 =	vunpack.c.0.s8.s32 v7  }
0xe: {  	s26 =	sor.u32 s5, s10;
	v1 =	vunpack.c.0.s8.s32 v1;
	s10 =	simm.s32 $0x9;
	s11 =	ssub.s32 s6, s9;
	v2 =	vcombine.low v3, v2  }
0xf: {  	s5 =	sadd.s32 s0, s26;
	s6 =	sadd.s32 s3, s26;
	s7 =	sadd.s32 s7, s26;
	v3 =	vcombine.low v5, v4;
	v4 =	vcombine.low v7, v6;
	v0 =	vand.u32 $0xF, v0  }
0x10: {  	s8 =	sadd.s32 s8, s26;
	s9 =	simm.s32 $0x200;
	s26 =	simm.s32 $0x3;
	v0 =	vcombine.low v0, v1  }
0x11: {  	s0 =	simm.s32 $0x6;
	s3 =	simm.s32 $0x8;
	s11 =	smax.u32 s11, $0x1;
	v1 =	vand.u32 $0xF, v2;
	v2 =	vand.u32 $0xF, v3;
	v3 =	vand.u32 $0xF, v4  }
.LBB2_1:
0x12: {  	[tilespmem:s4], [sflag:$0x7] =	stream.linear.gather [hbm4b:s5+s4], $0x200, $0x38;
	[tilespmem:$0x18800] =	vst v63  }
0x13: {  	_ = 	snop  }
0x14: {  	[tilespmem:s9], [sflag:$0x7] =	stream.linear.gather [hbm4b:s6+s4], $0x200, $0x38;
	[tilespmem:$0x18800] =	vst v63  }
0x15: {  	s17 =	simm.s32 $0x400  }
0x16: {  	[tilespmem:s17], [sflag:$0x8] =	stream.linear.gather [hbm4b:s7+s4], $0x200, $0x38;
	[tilespmem:$0x18800] =	vst v63  }
0x17: {  	_ =	swait.ge [sflag:s12], $0x200  }
0x18: {  	[sflag:s12] =	ssyncset.done $0x0  }
0x19: {  	[sflag:s12] =	ssyncadd.s32 $0xFFFFFE00  }
0x1a: {  	_ =	swait.ge [sflag:s12], $0x200  }
0x1b: {  	[sflag:s12] =	ssyncset.done $0x0  }
0x1c: {  	[sflag:s12] =	ssyncadd.s32 $0xFFFFFE00  }
0x1d: {  	[tilespmem:s14], [sflag:$0x1] =	stream.indirect.gather [hbm4b:s1+s13], $0x80, s4, s13, $0xb8;
	[tilespmem:$0x18800] =	vst v63  }
0x1e: {  	_ = 	snop  }
0x1f: {  	[tilespmem:s15], [sflag:$0x2] =	stream.indirect.gather [hbm4b:s2+s13], $0x80, s9, s13, $0xb8;
	[tilespmem:$0x18800] =	vst v63  }
0x20: {  	s21 =	simm.s32 $0x8800  }
0x21: {  	[tilespmem:s21], [sflag:$0x3] =	stream.indirect.gather [hbm4b:s1+s13], $0x80, s13, s13, $0xb8;
	[tilespmem:$0x18800] =	vst v63  }
0x22: {  	s22 =	simm.s32 $0x280;
	s18 =	simm.s32 $0xC800  }
0x23: {  	[tilespmem:s18], [sflag:$0x4] =	stream.indirect.gather [hbm4b:s2+s13], $0x80, s22, s13, $0xb8;
	[tilespmem:$0x18800] =	vst v63  }
0x24: {  	_ =	swait.ge [sflag:s19], $0x4000  }
0x25: {  	[sflag:s19] =	ssyncset.done $0x0  }
0x26: {  	[sflag:s19] =	ssyncadd.s32 $0xFFFFC000  }
0x27: {  	_ =	swait.ge [sflag:s20], $0x4000  }
0x28: {  	[sflag:s20] =	ssyncset.done $0x0  }
0x29: {  	s23 =	simm.s32 $0x100;
	s24 =	simm.s32 $0x10800;
	[sflag:s20] =	ssyncadd.s32 $0xFFFFC000  }
0x2a: {  	[tilespmem:s24], [sflag:$0x5] =	stream.indirect.gather [hbm4b:s1+s13], $0x80, s23, s13, $0xb8;
	[tilespmem:$0x18800] =	vst v63  }
0x2b: {  	s21 =	simm.s32 $0x14800;
	s18 =	simm.s32 $0x300;
	s22 =	simm.s32 $0x900  }
0x2c: {  	[tilespmem:s21], [sflag:$0x6] =	stream.indirect.gather [hbm4b:s2+s13], $0x80, s18, s13, $0xb8;
	[tilespmem:$0x18800] =	vst v63  }
0x2d: {  	s23 =	simm.s32 $0x4900;
	v4 =	vld [tilespmem:s22+$0xE0]  }
0x2e: {  	v5 =	vld [tilespmem:s23+$0xE0]  }
0x2f: {  	v6 =	vld [tilespmem:s22+$0xC0]  }
0x30: {  	v7 =	vld [tilespmem:s23+$0xC0]  }
0x31: {  	v8 =	vld [tilespmem:s22+$0x80]  }
0x32: {  	v9 =	vld [tilespmem:s23+$0x80]  }
0x33: {  	v10 =	vld [tilespmem:s22+$0x90]  }
0x34: {  	v11 =	vld [tilespmem:s23+$0x90]  }
0x35: {  	v12 =	vld [tilespmem:s22+$0xA0]  }
0x36: {  	v13 =	vld [tilespmem:s23+$0xA0]  }
0x37: {  	v14 =	vld [tilespmem:s22+$0xB0]  }
0x38: {  	v15 =	vld [tilespmem:s23+$0xB0]  }
0x39: {  	v16 =	vld [tilespmem:s22+$0xD0]  }
0x3a: {  	v17 =	vld [tilespmem:s23+$0xD0]  }
0x3b: {  	v18 =	vld [tilespmem:s22+$0xF0]  }
0x3c: {  	v19 =	vld [tilespmem:s23+$0xF0]  }
0x3d: {  	v20 =	vld [tilespmem:s23+$0xFFFFFF00]  }
0x3e: {  	v21 =	vld [tilespmem:s22+$0xFFFFFF10]  }
0x3f: {  	v22 =	vld [tilespmem:s23+$0xFFFFFF10]  }
0x40: {  	v23 =	vld [tilespmem:s22+$0xFFFFFF20]  }
0x41: {  	v24 =	vld [tilespmem:s23+$0xFFFFFF20]  }
0x42: {  	v25 =	vld [tilespmem:s22+$0xFFFFFF30]  }
0x43: {  	v26 =	vld [tilespmem:s23+$0xFFFFFF30]  }
0x44: {  	v27 =	vld [tilespmem:s22+$0xFFFFFF80]  }
0x45: {  	v28 =	vld [tilespmem:s23+$0xFFFFFF80]  }
0x46: {  	v29 =	vld [tilespmem:s22+$0xFFFFFF90]  }
0x47: {  	v30 =	vld [tilespmem:s23+$0xFFFFFF90]  }
0x48: {  	v31 =	vld [tilespmem:s22+$0xFFFFFFA0]  }
0x49: {  	v32 =	vld [tilespmem:s23+$0xFFFFFFA0]  }
0x4a: {  	v33 =	vld [tilespmem:s22+$0xFFFFFFB0]  }
0x4b: {  	v34 =	vld [tilespmem:s23+$0xFFFFFFB0]  }
0x4c: {  	v35 =	vld [tilespmem:s22+$0x0]  }
0x4d: {  	v36 =	vld [tilespmem:s23+$0x0]  }
0x4e: {  	v37 =	vld [tilespmem:s22+$0x10]  }
0x4f: {  	v38 =	vld [tilespmem:s23+$0x10]  }
0x50: {  	v39 =	vld [tilespmem:s22+$0x20]  }
0x51: {  	v40 =	vld [tilespmem:s23+$0x20]  }
0x52: {  	v41 =	vld [tilespmem:s22+$0x30]  }
0x53: {  	v42 =	vld [tilespmem:s23+$0x30]  }
0x54: {  	v57 =	vld [tilespmem:s22+$0xFFFFFF70]  }
0x55: {  	v59 =	vld [tilespmem:s23+$0xFFFFFF70]  }
0x56: {  	v62 =	vld [tilespmem:s23+$0xFFFFFFE0]  }
0x57: {  	v8 =	vmul.f32 v9, v8;
	v9 =	vmul.f32 v11, v10;
	v10 =	vld [tilespmem:s22+$0xFFFFFF00]  }
0x58: {  	v11 =	vmul.f32 v13, v12;
	v13 =	vld [tilespmem:s22+$0xFFFFFF40]  }
0x59: {  	v12 =	vmul.f32 v15, v14;
	v6 =	vmul.f32 v7, v6;
	v7 =	vld [tilespmem:s23+$0xFFFFFF40]  }
0x5a: {  	v4 =	vmul.f32 v5, v4;
	v5 =	vld [tilespmem:s23+$0xFFFFFF50]  }
0x5b: {  	v14 =	vld [tilespmem:s23+$0xFFFFFFC0];
	v8 =	vadd.f32 v11, v8;
	v9 =	vadd.f32 v12, v9;
	v11 =	vmul.f32 v17, v16  }
0x5c: {  	v15 =	vld [tilespmem:s23+$0x40]  }
0x5d: {  	v12 =	vld [tilespmem:s22+$0xFFFFFF50];
	v6 =	vadd.f32 v6, v8;
	v8 =	vadd.f32 v11, v9;
	v9 =	vmul.f32 v19, v18  }
0x5e: {  	v17 =	vld [tilespmem:s22+$0x50]  }
0x5f: {  	v11 =	vld [tilespmem:s22+$0xFFFFFFC0];
	v4 =	vadd.f32 v4, v6;
	v6 =	vadd.f32 v9, v8  }
0x60: {  	v55 =	vmul.f32 v28, v27;
	v58 =	vmul.f32 v32, v31;
	v18 =	vld [tilespmem:s23+$0x50]  }
0x61: {  	v19 =	vmul.f32 v22, v21;
	v21 =	vmul.f32 v24, v23;
	v23 =	vld [tilespmem:s23+$0xFFFFFF60];
	v4 =	vadd.f32 v6, v4  }
0x62: {  	v60 =	vmul.f32 v36, v35;
	v7 =	vmul.f32 v7, v13;
	v13 =	vld [tilespmem:s22+$0xFFFFFFF0]  }
0x63: {  	v22 =	vmul.f32 v26, v25;
	v8 =	vld [tilespmem:s22+$0xFFFFFFD0];
	v16 =	vperm.xlane v4, v0  }
0x64: {  	v61 =	vmul.f32 v40, v39;
	v10 =	vmul.f32 v20, v10;
	v9 =	vld [tilespmem:s23+$0xFFFFFFD0]  }
0x65: {  	v63 =	vmul.f32 v42, v41;
	v19 =	vadd.f32 v22, v19;
	v4 =	vadd.f32 v4, v16;
	v16 =	vld [tilespmem:s22+$0xFFFFFF60]  }
0x66: {  	v22 =	vmul.f32 v30, v29;
	v10 =	vadd.f32 v21, v10;
	v5 =	vmul.f32 v5, v12;
	v12 =	vld [tilespmem:s23+$0xFFFFFFF0]  }
0x67: {  	v24 =	vadd.f32 v58, v55;
	v21 =	vmul.f32 v38, v37;
	v6 =	vld [tilespmem:s22+$0x40];
	v56 =	vperm.xlane v4, v1  }
0x68: {  	v20 =	vld [tilespmem:s22+$0xFFFFFFE0];
	v7 =	vadd.f32 v7, v10;
	v10 =	vmul.f32 v14, v11;
	v5 =	vadd.f32 v5, v19  }
0x69: {  	v11 =	vld [tilespmem:s22+$0x60];
	v8 =	vmul.f32 v9, v8;
	v25 =	vadd.f32 v4, v56;
	v4 =	vmul.f32 v34, v33  }
0x6a: {  	v19 =	vld [tilespmem:s23+$0x60];
	v21 =	vadd.f32 v63, v21;
	v14 =	vmul.f32 v23, v16;
	v16 =	vmul.f32 v59, v57  }
0x6b: {  	v9 =	vld [tilespmem:s22+$0x70];
	v12 =	vmul.f32 v12, v13;
	v4 =	vadd.f32 v4, v22;
	v22 =	vadd.f32 v61, v60  }
0x6c: {  	s18 =	simm.s32 $0xB00;
	v13 =	vmul.f32 v15, v6;
	v7 =	vadd.f32 v14, v7;
	v5 =	vadd.f32 v16, v5;
	v14 =	vld [tilespmem:s23+$0x70]  }
0x6d: {  	v10 =	vadd.f32 v10, v24;
	v6 =	vld [tilespmem:s18+$0xC0];
	v16 =	vmul.f32 v62, v20;
	v8 =	vadd.f32 v8, v4  }
0x6e: {  	s21 =	simm.s32 $0x4B00;
	v15 =	vmul.f32 v18, v17;
	v4 =	vld [tilespmem:s18+$0xE0];
	v13 =	vadd.f32 v13, v22;
	v17 =	vadd.f32 v5, v7  }
0x6f: {  	v11 =	vmul.f32 v19, v11;
	v5 =	vld [tilespmem:s21+$0xE0];
	v10 =	vadd.f32 v16, v10;
	v12 =	vadd.f32 v12, v8  }
0x70: {  	v15 =	vadd.f32 v15, v21;
	v18 =	vperm.xlane v25, v2;
	v7 =	vld [tilespmem:s21+$0xC0];
	v16 =	vperm.xlane v17, v0  }
0x71: {  	v8 =	vld [tilespmem:s18+$0x80];
	v11 =	vadd.f32 v11, v13;
	v19 =	vadd.f32 v12, v10;
	v12 =	vmul.f32 v14, v9  }
0x72: {  	s24 =	simm.s32 $0x3;
	v13 =	vld [tilespmem:s21+$0x90];
	v14 =	vadd.f32 v25, v18;
	v21 =	vadd.f32 v17, v16  }
0x73: {  	v20 =	vmov s24;
	v9 =	vld [tilespmem:s21+$0x80];
	v16 =	vperm.xlane v19, v0;
	v15 =	vadd.f32 v12, v15  }
0x74: {  	v10 =	vld [tilespmem:s18+$0x90];
	v22 =	vperm.xlane v14, v3;
	v23 =	vperm.xlane v21, v1  }
0x75: {  	v12 =	vld [tilespmem:s18+$0xA0];
	v18 =	vadd.f32 v19, v16;
	v17 =	vadd.f32 v15, v11  }
0x76: {  	v11 =	vadd.f32 v14, v22;
	v16 =	vld [tilespmem:s21+$0xA0];
	v15 =	vadd.f32 v21, v23  }
0x77: {  	s22 =	simm.s32 $0x1;
	v19 =	vld [tilespmem:s18+$0xB0];
	v14 =	vmov s4;
	v21 =	vperm.xlane v18, v1;
	v22 =	vperm.xlane v17, v0  }
0x78: {  	s17 =	simm.s32 $0x4;
	s23 =	simm.s32 $0x8;
	[tilespmem:v20+s25+$0x0] =	vst.idx.msk $0x1, v11;
	v20 =	vld [tilespmem:s21+$0xB0];
	v11 =	vand.u32 $0xFFFFFFFC, v14;
	v14 =	vmov s22;
	s22 =	simm.s32 $0x0;
	v23 =	vperm.xlane v15, v2  }
.LBB2_2:
0x79: {  	p0 =	slt.u32 s23, $0x7C;
	v24 =	vld [tilespmem:s18+$0xD0];
	v18 =	vadd.f32 v18, v21;
	v14 =	vand.u32 $0xFFFFFFFD, v14;
	v17 =	vadd.f32 v17, v22  }
0x7a: {  	v11 =	vbroadcast v11, $0x0;
	s24 =	sadd.s32 $0x2, s22;
	s22 =	smov.u32 s17;
	s17 =	smov.u32 s23;
	v21 =	vld [tilespmem:s21+$0xD0];
	v15 =	vadd.f32 v15, v23;
	v14 =	vbroadcast v14, $0x0  }
0x7b: {  	v26 =	vmov s24;
	v22 =	vld [tilespmem:s18+$0xF0];
	v23 =	vperm.xlane v18, v2;
	v25 =	vperm.xlane v17, v1  }
0x7c: {  	v8 =	vmul.f32 v9, v8;
	v9 =	vmul.f32 v13, v10;
	v13 =	vand.u32 $0xFFFFFFFE, v26;
	v10 =	vld [tilespmem:s21+$0xF0]  }
0x7d: {  	v12 =	vmul.f32 v16, v12;
	v26 =	vld [tilespmem:s21+$0xFFFFFF00];
	v16 =	vmul.f32 v20, v19;
	v17 =	vadd.f32 v17, v25  }
0x7e: {  	v6 =	vmul.f32 v7, v6;
	v7 =	vperm.xlane v15, v3;
	v18 =	vadd.f32 v18, v23;
	v19 =	vld [tilespmem:s18+$0xFFFFFF10]  }
0x7f: {  	v8 =	vadd.f32 v12, v8;
	v20 =	vld [tilespmem:s21+$0xFFFFFF10];
	v9 =	vadd.f32 v16, v9;
	v12 =	vmul.f32 v21, v24  }
0x80: {  	v4 =	vmul.f32 v5, v4;
	v5 =	vadd.f32 v15, v7;
	v7 =	vperm.xlane v17, v2;
	v16 =	vld [tilespmem:s18+$0xFFFFFF20]  }
0x81: {  	v6 =	vadd.f32 v6, v8;
	v15 =	vld [tilespmem:s21+$0xFFFFFF20];
	v8 =	vadd.f32 v12, v9;
	v9 =	vmul.f32 v10, v22  }
0x82: {  	v7 =	vadd.f32 v17, v7;
	v10 =	vld [tilespmem:s18+$0xFFFFFF30];
	[tilespmem:v11+s25+$0x0] =	vst.idx.msk $0x1, v5;
	v5 =	vperm.xlane v18, v3;
	v11 =	vbroadcast v13, $0x0  }
0x83: {  	v4 =	vadd.f32 v4, v6;
	v12 =	vld [tilespmem:s21+$0xFFFFFF30];
	v6 =	vadd.f32 v9, v8  }
0x84: {  	v13 =	vperm.xlane v7, v3;
	v8 =	vmul.f32 v20, v19;
	v9 =	vld [tilespmem:s18+$0xFFFFFF80];
	v5 =	vadd.f32 v18, v5  }
0x85: {  	v17 =	vld [tilespmem:s21+$0xFFFFFF80];
	v4 =	vadd.f32 v6, v4  }
0x86: {  	v6 =	vmul.f32 v15, v16;
	v15 =	vld [tilespmem:s18+$0xFFFFFF90];
	[tilespmem:v14+s25+$0x0] =	vst.idx.msk $0x1, v5;
	v5 =	vadd.f32 v7, v13  }
0x87: {  	v7 =	vld [tilespmem:s21+$0xFFFFFF90];
	v13 =	vperm.xlane v4, v0  }
0x88: {  	v10 =	vmul.f32 v12, v10;
	v12 =	vld [tilespmem:s18+$0xFFFFFFA0];
	[tilespmem:v11+s25+$0x0] =	vst.idx.msk $0x1, v5  }
0x89: {  	v5 =	vld [tilespmem:s21+$0xFFFFFFA0];
	v4 =	vadd.f32 v4, v13  }
0x8a: {  	v8 =	vadd.f32 v10, v8;
	v9 =	vmul.f32 v17, v9;
	v10 =	vld [tilespmem:s18+$0xFFFFFFB0]  }
0x8b: {  	v11 =	vld [tilespmem:s21+$0xFFFFFFB0];
	v13 =	vperm.xlane v4, v1  }
0x8c: {  	v7 =	vmul.f32 v7, v15;
	v14 =	vld [tilespmem:s18+$0x0]  }
0x8d: {  	v15 =	vld [tilespmem:s21+$0x0];
	v4 =	vadd.f32 v4, v13  }
0x8e: {  	v5 =	vmul.f32 v5, v12;
	v12 =	vld [tilespmem:s18+$0x10]  }
0x8f: {  	v13 =	vld [tilespmem:s21+$0x10];
	v16 =	vperm.xlane v4, v2  }
0x90: {  	v5 =	vadd.f32 v5, v9;
	v9 =	vmul.f32 v11, v10;
	v10 =	vld [tilespmem:s18+$0x20]  }
0x91: {  	s24 =	sadd.s32 $0x3, s22;
	v11 =	vld [tilespmem:s21+$0x20];
	v4 =	vadd.f32 v4, v16  }
0x92: {  	v7 =	vadd.f32 v9, v7;
	v9 =	vmul.f32 v15, v14;
	v14 =	vld [tilespmem:s18+$0x30];
	v15 =	vmov s24  }
0x93: {  	v16 =	vld [tilespmem:s21+$0x30];
	v17 =	vperm.xlane v4, v3  }
0x94: {  	v18 =	vld [tilespmem:s18+$0xFFFFFF00];
	v12 =	vmul.f32 v13, v12  }
0x95: {  	v13 =	vld [tilespmem:s18+$0xFFFFFF40];
	v4 =	vadd.f32 v4, v17  }
0x96: {  	v17 =	vld [tilespmem:s21+$0xFFFFFF40];
	v10 =	vmul.f32 v11, v10  }
0x97: {  	v11 =	vld [tilespmem:s18+$0xFFFFFF50];
	[tilespmem:v15+s25+$0x0] =	vst.idx.msk $0x1, v4  }
0x98: {  	v4 =	vld [tilespmem:s21+$0xFFFFFF50];
	v9 =	vadd.f32 v10, v9;
	v10 =	vmul.f32 v16, v14  }
0x99: {  	v14 =	vmul.f32 v26, v18;
	v15 =	vld [tilespmem:s18+$0xFFFFFFC0]  }
0x9a: {  	v16 =	vld [tilespmem:s21+$0xFFFFFFC0];
	v10 =	vadd.f32 v10, v12  }
0x9b: {  	v6 =	vadd.f32 v6, v14;
	v12 =	vmul.f32 v17, v13;
	v13 =	vld [tilespmem:s18+$0xFFFFFFD0]  }
0x9c: {  	v14 =	vld [tilespmem:s21+$0xFFFFFFD0]  }
0x9d: {  	v6 =	vadd.f32 v12, v6;
	v4 =	vmul.f32 v4, v11;
	v11 =	vld [tilespmem:s18+$0x40]  }
0x9e: {  	v12 =	vld [tilespmem:s21+$0x40]  }
0x9f: {  	v4 =	vadd.f32 v4, v8;
	v8 =	vmul.f32 v16, v15;
	v15 =	vld [tilespmem:s18+$0x50]  }
0xa0: {  	v16 =	vld [tilespmem:s21+$0x50]  }
0xa1: {  	v17 =	vld [tilespmem:s18+$0xFFFFFF60];
	v5 =	vadd.f32 v8, v5;
	v8 =	vmul.f32 v14, v13  }
0xa2: {  	v13 =	vld [tilespmem:s21+$0xFFFFFF60]  }
0xa3: {  	v14 =	vld [tilespmem:s18+$0xFFFFFF70];
	v7 =	vadd.f32 v8, v7;
	v8 =	vmul.f32 v12, v11  }
0xa4: {  	v11 =	vld [tilespmem:s21+$0xFFFFFF70]  }
0xa5: {  	v12 =	vld [tilespmem:s18+$0xFFFFFFE0];
	v9 =	vadd.f32 v8, v9;
	v8 =	vmul.f32 v16, v15  }
0xa6: {  	v15 =	vld [tilespmem:s21+$0xFFFFFFE0]  }
0xa7: {  	v13 =	vmul.f32 v13, v17;
	v16 =	vld [tilespmem:s18+$0xFFFFFFF0];
	v17 =	vadd.f32 v8, v10  }
0xa8: {  	v8 =	vld [tilespmem:s21+$0xFFFFFFF0]  }
0xa9: {  	v6 =	vadd.f32 v13, v6;
	v10 =	vmul.f32 v11, v14;
	v11 =	vld [tilespmem:s18+$0x60]  }
0xaa: {  	v13 =	vld [tilespmem:s21+$0x60]  }
0xab: {  	v10 =	vadd.f32 v10, v4;
	v12 =	vmul.f32 v15, v12;
	v14 =	vld [tilespmem:s18+$0x70]  }
0xac: {  	s18 =	sadd.s32 $0x200, s18;
	v15 =	vld [tilespmem:s21+$0x70]  }
0xad: {  	s21 =	sadd.s32 $0x200, s21;
	v4 =	vld [tilespmem:s18+$0xE0];
	v10 =	vadd.f32 v10, v6;
	v12 =	vadd.f32 v12, v5;
	v8 =	vmul.f32 v8, v16  }
0xae: {  	v5 =	vld [tilespmem:s21+$0xE0]  }
0xaf: {  	v6 =	vld [tilespmem:s18+$0xC0];
	v16 =	vperm.xlane v10, v0;
	v18 =	vadd.f32 v8, v7;
	v11 =	vmul.f32 v13, v11  }
0xb0: {  	v7 =	vld [tilespmem:s21+$0xC0]  }
0xb1: {  	v8 =	vld [tilespmem:s18+$0x80];
	v18 =	vadd.f32 v18, v12;
	v11 =	vadd.f32 v11, v9;
	v12 =	vmul.f32 v15, v14  }
0xb2: {  	v14 =	vadd.f32 v10, v16;
	v9 =	vld [tilespmem:s21+$0x80]  }
0xb3: {  	v10 =	vld [tilespmem:s18+$0x90];
	v15 =	vperm.xlane v18, v0;
	v16 =	vadd.f32 v12, v17  }
.Ltmp0:
0xb4: {  	v19 =	vperm.xlane v14, v1;
	v13 =	vld [tilespmem:s21+$0x90];
	(pc) =	sbr.rel @p0 .LBB2_2-.Ltmp0, $4  }
0xb5: {  	v12 =	vld [tilespmem:s18+$0xA0];
	v18 =	vadd.f32 v18, v15;
	v17 =	vadd.f32 v16, v11  }
0xb6: {  	v15 =	vadd.f32 v14, v19;
	v16 =	vld [tilespmem:s21+$0xA0]  }
0xb7: {  	s24 =	sadd.s32 $0x1, s22;
	v11 =	vmov s22;
	v19 =	vld [tilespmem:s18+$0xB0];
	v21 =	vperm.xlane v18, v1;
	v22 =	vperm.xlane v17, v0  }
0xb8: {  	s23 =	sadd.s32 $0x4, s23;
	v14 =	vmov s24;
	v11 =	vand.u32 $0xFFFFFFFC, v11;
	v23 =	vperm.xlane v15, v2;
	v20 =	vld [tilespmem:s21+$0xB0]  }
0xb9: {  	v24 =	vld [tilespmem:s18+$0xD0]  }
0xba: {  	v25 =	vld [tilespmem:s21+$0xD0]  }
0xbb: {  	v26 =	vld [tilespmem:s18+$0xF0]  }
0xbc: {  	v27 =	vld [tilespmem:s21+$0xF0]  }
0xbd: {  	v28 =	vld [tilespmem:s21+$0xFFFFFF00]  }
0xbe: {  	v29 =	vld [tilespmem:s18+$0xFFFFFF10]  }
0xbf: {  	v30 =	vld [tilespmem:s21+$0xFFFFFF10]  }
0xc0: {  	v31 =	vld [tilespmem:s18+$0xFFFFFF20]  }
0xc1: {  	v32 =	vld [tilespmem:s21+$0xFFFFFF20]  }
0xc2: {  	v33 =	vld [tilespmem:s18+$0xFFFFFF30]  }
0xc3: {  	v34 =	vld [tilespmem:s21+$0xFFFFFF30]  }
0xc4: {  	v35 =	vld [tilespmem:s18+$0xFFFFFF80]  }
0xc5: {  	v36 =	vld [tilespmem:s21+$0xFFFFFF80]  }
0xc6: {  	v37 =	vld [tilespmem:s18+$0xFFFFFF90]  }
0xc7: {  	v38 =	vld [tilespmem:s21+$0xFFFFFF90]  }
0xc8: {  	v39 =	vld [tilespmem:s18+$0xFFFFFFA0]  }
0xc9: {  	v40 =	vld [tilespmem:s21+$0xFFFFFFA0]  }
0xca: {  	v41 =	vld [tilespmem:s18+$0xFFFFFFB0]  }
0xcb: {  	v42 =	vld [tilespmem:s21+$0xFFFFFFB0]  }
0xcc: {  	v43 =	vld [tilespmem:s18+$0x0]  }
0xcd: {  	v44 =	vld [tilespmem:s21+$0x0]  }
0xce: {  	v45 =	vld [tilespmem:s18+$0x10]  }
0xcf: {  	v46 =	vld [tilespmem:s21+$0x10]  }
0xd0: {  	v47 =	vld [tilespmem:s18+$0x20]  }
0xd1: {  	v48 =	vld [tilespmem:s21+$0x20]  }
0xd2: {  	v49 =	vld [tilespmem:s18+$0x30]  }
0xd3: {  	v50 =	vld [tilespmem:s21+$0x30]  }
0xd4: {  	v51 =	vld [tilespmem:s18+$0xFFFFFF00]  }
0xd5: {  	v52 =	vld [tilespmem:s18+$0xFFFFFF40]  }
0xd6: {  	v53 =	vld [tilespmem:s21+$0xFFFFFF40]  }
0xd7: {  	v54 =	vld [tilespmem:s18+$0xFFFFFF50]  }
0xd8: {  	v8 =	vmul.f32 v9, v8;
	v9 =	vmul.f32 v13, v10;
	v10 =	vld [tilespmem:s21+$0xFFFFFF50]  }
0xd9: {  	v6 =	vmul.f32 v7, v6;
	v7 =	vld [tilespmem:s21+$0xFFFFFFC0]  }
0xda: {  	v4 =	vmul.f32 v5, v4;
	v5 =	vld [tilespmem:s21+$0xFFFFFFD0]  }
0xdb: {  	v58 =	vld [tilespmem:s21+$0xFFFFFF60]  }
0xdc: {  	v18 =	vadd.f32 v18, v21;
	v61 =	vld [tilespmem:s18+$0xFFFFFF70];
	v14 =	vand.u32 $0xFFFFFFFD, v14;
	v11 =	vbroadcast v11, $0x0  }
0xdd: {  	v63 =	vld [tilespmem:s21+$0xFFFFFF70];
	v14 =	vbroadcast v14, $0x0;
	v12 =	vmul.f32 v16, v12  }
0xde: {  	v17 =	vadd.f32 v17, v22;
	v16 =	vld [tilespmem:s18+$0xFFFFFFC0];
	v56 =	vperm.xlane v18, v2;
	v13 =	vmul.f32 v20, v19  }
0xdf: {  	v8 =	vadd.f32 v12, v8;
	v19 =	vld [tilespmem:s21+$0x40];
	v12 =	vmul.f32 v25, v24;
	v55 =	vmul.f32 v30, v29  }
0xe0: {  	v20 =	vld [tilespmem:s21+$0x50];
	v18 =	vadd.f32 v18, v56;
	v57 =	vmul.f32 v32, v31;
	v60 =	vmul.f32 v34, v33  }
0xe1: {  	v62 =	vmul.f32 v38, v37;
	v41 =	vmul.f32 v42, v41;
	v42 =	vld [tilespmem:s18+$0xFFFFFFE0];
	v9 =	vadd.f32 v13, v9  }
0xe2: {  	v43 =	vmul.f32 v44, v43;
	v44 =	vmul.f32 v46, v45;
	v45 =	vld [tilespmem:s21+$0xFFFFFFE0];
	v6 =	vadd.f32 v6, v8  }
0xe3: {  	v46 =	vmul.f32 v48, v47;
	v47 =	vld [tilespmem:s18+$0xFFFFFFF0];
	v8 =	vadd.f32 v12, v9;
	v9 =	vmul.f32 v27, v26  }
0xe4: {  	v40 =	vmul.f32 v40, v39;
	v48 =	vmul.f32 v50, v49;
	v49 =	vld [tilespmem:s21+$0xFFFFFFF0];
	v4 =	vadd.f32 v4, v6  }
0xe5: {  	v13 =	vld [tilespmem:s18+$0xFFFFFFD0];
	v6 =	vadd.f32 v9, v8;
	v9 =	vadd.f32 v15, v23;
	v15 =	vperm.xlane v17, v1  }
0xe6: {  	v28 =	vmul.f32 v28, v51;
	v50 =	vmul.f32 v53, v52;
	v51 =	vld [tilespmem:s18+$0x60];
	v21 =	vadd.f32 v60, v55  }
0xe7: {  	v22 =	vadd.f32 v46, v43;
	v12 =	vld [tilespmem:s18+$0x40];
	v15 =	vadd.f32 v17, v15;
	v17 =	vperm.xlane v9, v3  }
0xe8: {  	v10 =	vmul.f32 v10, v54;
	v53 =	vadd.f32 v48, v44;
	v4 =	vadd.f32 v6, v4;
	v6 =	vld [tilespmem:s18+$0xFFFFFF60]  }
0xe9: {  	v7 =	vmul.f32 v7, v16;
	v16 =	vld [tilespmem:s18+$0x70];
	v9 =	vadd.f32 v9, v17;
	v17 =	vmul.f32 v36, v35  }
0xea: {  	v27 =	vadd.f32 v41, v62;
	v8 =	vld [tilespmem:s18+$0x50];
	v23 =	vadd.f32 v57, v28;
	v5 =	vmul.f32 v5, v13  }
0xeb: {  	v10 =	vadd.f32 v10, v21;
	v54 =	vmul.f32 v49, v47;
	v13 =	vld [tilespmem:s21+$0x70];
	v17 =	vadd.f32 v40, v17  }
0xec: {  	v52 =	vld [tilespmem:s21+$0x60];
	v23 =	vadd.f32 v50, v23;
	v12 =	vmul.f32 v19, v12;
	v5 =	vadd.f32 v5, v27  }
0xed: {  	s23 =	sadd.s32 $0x2, s22;
	v6 =	vmul.f32 v58, v6;
	v7 =	vadd.f32 v7, v17;
	v17 =	vmul.f32 v63, v61  }
0xee: {  	v19 =	vmov s23;
	v59 =	vperm.xlane v4, v0;
	v12 =	vadd.f32 v12, v22  }
0xef: {  	v8 =	vmul.f32 v20, v8;
	v6 =	vadd.f32 v6, v23;
	v10 =	vadd.f32 v17, v10  }
0xf0: {  	v4 =	vadd.f32 v4, v59;
	v13 =	vmul.f32 v13, v16;
	v17 =	vmul.f32 v45, v42  }
0xf1: {  	v8 =	vadd.f32 v8, v53;
	v6 =	vadd.f32 v10, v6;
	v10 =	vmul.f32 v52, v51  }
0xf2: {  	v5 =	vadd.f32 v54, v5;
	v16 =	vand.u32 $0xFFFFFFFE, v19;
	v7 =	vadd.f32 v17, v7  }
0xf3: {  	v8 =	vadd.f32 v13, v8;
	v17 =	vperm.xlane v4, v1;
	v10 =	vadd.f32 v10, v12  }
0xf4: {  	v12 =	vperm.xlane v15, v2;
	v13 =	vperm.xlane v6, v0;
	v5 =	vadd.f32 v5, v7  }
0xf5: {  	v7 =	vperm.xlane v18, v3;
	v4 =	vadd.f32 v4, v17;
	v8 =	vadd.f32 v8, v10  }
0xf6: {  	v10 =	vadd.f32 v15, v12;
	v6 =	vadd.f32 v6, v13;
	v12 =	vperm.xlane v5, v0  }
0xf7: {  	v7 =	vadd.f32 v18, v7;
	v13 =	vperm.xlane v4, v2;
	v15 =	vperm.xlane v8, v0  }
0xf8: {  	v17 =	vperm.xlane v10, v3;
	v18 =	vperm.xlane v6, v1;
	v5 =	vadd.f32 v5, v12  }
0xf9: {  	v12 =	vbroadcast v16, $0x0;
	v4 =	vadd.f32 v4, v13;
	v8 =	vadd.f32 v8, v15  }
0xfa: {  	s24 =	sadd.s32 $0x3, s17;
	v10 =	vadd.f32 v10, v17;
	v6 =	vadd.f32 v6, v18;
	v13 =	vperm.xlane v5, v1  }
0xfb: {  	v15 =	vmov s24;
	v16 =	vperm.xlane v4, v3;
	v17 =	vperm.xlane v8, v1  }
0xfc: {  	s21 =	sadd.s32 $0x1, s17;
	v18 =	vmov s17;
	v19 =	vperm.xlane v6, v2;
	v5 =	vadd.f32 v5, v13  }
0xfd: {  	v13 =	vand.u32 $0xFFFFFFFC, v18;
	v18 =	vmov s21;
	v8 =	vadd.f32 v8, v17  }
0xfe: {  	s22 =	sadd.s32 $0x2, s17;
	v13 =	vbroadcast v13, $0x0;
	v17 =	vand.u32 $0xFFFFFFFD, v18;
	v18 =	vperm.xlane v5, v2  }
0xff: {  	v6 =	vadd.f32 v6, v19;
	v19 =	vmov s22;
	v55 =	vperm.xlane v8, v2  }
0x100: {  	v17 =	vbroadcast v17, $0x0;
	v19 =	vand.u32 $0xFFFFFFFE, v19;
	v5 =	vadd.f32 v5, v18  }
0x101: {  	[tilespmem:v11+s25+$0x0] =	vst.idx.msk $0x1, v9;
	v9 =	vperm.xlane v6, v3;
	v11 =	vbroadcast v19, $0x0;
	v8 =	vadd.f32 v8, v55  }
0x102: {  	[tilespmem:v14+s25+$0x0] =	vst.idx.msk $0x1, v7;
	v4 =	vadd.f32 v4, v16;
	v7 =	vperm.xlane v5, v3  }
0x103: {  	[tilespmem:v12+s25+$0x0] =	vst.idx.msk $0x1, v10;
	v6 =	vadd.f32 v6, v9;
	v9 =	vperm.xlane v8, v3  }
0x104: {  	[tilespmem:v15+s25+$0x0] =	vst.idx.msk $0x1, v4;
	v4 =	vadd.f32 v5, v7  }
0x105: {  	[tilespmem:v13+s25+$0x0] =	vst.idx.msk $0x1, v6;
	v5 =	vadd.f32 v8, v9  }
0x106: {  	[tilespmem:v17+s25+$0x0] =	vst.idx.msk $0x1, v4  }
0x107: {  	[tilespmem:v11+s25+$0x0] =	vst.idx.msk $0x1, v5  }
0x108: {  	_ =	swait.ge [sflag:s26], $0x4000  }
0x109: {  	[sflag:s26] =	ssyncset.done $0x0  }
0x10a: {  	[sflag:s26] =	ssyncadd.s32 $0xFFFFC000  }
0x10b: {  	_ =	swait.ge [sflag:s28], $0x4000  }
0x10c: {  	[sflag:s28] =	ssyncset.done $0x0  }
0x10d: {  	[sflag:s28] =	ssyncadd.s32 $0xFFFFC000  }
0x10e: {  	[tilespmem:s14], [sflag:$0x1] =	stream.indirect.gather [hbm4b:s1+s13], $0x80, s29, s13, $0xb8;
	[tilespmem:$0x18800] =	vst v63  }
0x10f: {  	s23 =	simm.s32 $0x8900  }
0x110: {  	[tilespmem:s15], [sflag:$0x2] =	stream.indirect.gather [hbm4b:s2+s13], $0x80, s30, s13, $0xb8;
	[tilespmem:$0x18800] =	vst v63  }
0x111: {  	s17 =	simm.s32 $0xC900;
	v4 =	vld [tilespmem:s23+$0xE0]  }
0x112: {  	v5 =	vld [tilespmem:s17+$0xE0]  }
0x113: {  	v6 =	vld [tilespmem:s23+$0xC0]  }
0x114: {  	v7 =	vld [tilespmem:s17+$0xC0]  }
0x115: {  	v8 =	vld [tilespmem:s23+$0x80]  }
0x116: {  	v9 =	vld [tilespmem:s17+$0x80]  }
0x117: {  	v10 =	vld [tilespmem:s23+$0x90]  }
0x118: {  	v11 =	vld [tilespmem:s17+$0x90]  }
0x119: {  	v12 =	vld [tilespmem:s23+$0xA0]  }
0x11a: {  	v13 =	vld [tilespmem:s17+$0xA0]  }
0x11b: {  	v14 =	vld [tilespmem:s23+$0xB0]  }
0x11c: {  	v15 =	vld [tilespmem:s17+$0xB0]  }
0x11d: {  	v16 =	vld [tilespmem:s23+$0xD0]  }
0x11e: {  	v17 =	vld [tilespmem:s17+$0xD0]  }
0x11f: {  	v18 =	vld [tilespmem:s23+$0xF0]  }
0x120: {  	v19 =	vld [tilespmem:s17+$0xF0]  }
0x121: {  	v20 =	vld [tilespmem:s17+$0xFFFFFF00]  }
0x122: {  	v56 =	vld [tilespmem:s23+$0xFFFFFF10]  }
0x123: {  	v57 =	vld [tilespmem:s17+$0xFFFFFF10]  }
0x124: {  	v23 =	vld [tilespmem:s23+$0xFFFFFF20]  }
0x125: {  	v24 =	vld [tilespmem:s17+$0xFFFFFF20]  }
0x126: {  	v58 =	vld [tilespmem:s23+$0xFFFFFF30]  }
0x127: {  	v59 =	vld [tilespmem:s17+$0xFFFFFF30]  }
0x128: {  	v60 =	vld [tilespmem:s23+$0xFFFFFF80]  }
0x129: {  	v61 =	vld [tilespmem:s17+$0xFFFFFF80]  }
0x12a: {  	v62 =	vld [tilespmem:s23+$0xFFFFFF90]  }
0x12b: {  	v63 =	vld [tilespmem:s17+$0xFFFFFF90]  }
0x12c: {  	v42 =	vld [tilespmem:s23+$0xFFFFFFA0]  }
0x12d: {  	v43 =	vld [tilespmem:s17+$0xFFFFFFA0]  }
0x12e: {  	v44 =	vld [tilespmem:s23+$0xFFFFFFB0]  }
0x12f: {  	v46 =	vld [tilespmem:s17+$0xFFFFFFC0]  }
0x130: {  	v47 =	vld [tilespmem:s23+$0xFFFFFFD0]  }
0x131: {  	v49 =	vld [tilespmem:s23+$0x40];
	v8 =	vmul.f32 v9, v8;
	v9 =	vmul.f32 v11, v10  }
0x132: {  	v51 =	vld [tilespmem:s17+$0x40];
	v11 =	vmul.f32 v13, v12;
	v12 =	vmul.f32 v15, v14  }
0x133: {  	v53 =	vld [tilespmem:s23+$0x50];
	v6 =	vmul.f32 v7, v6  }
0x134: {  	v10 =	vld [tilespmem:s17+$0xFFFFFFB0];
	v8 =	vadd.f32 v11, v8;
	v9 =	vadd.f32 v12, v9;
	v11 =	vmul.f32 v17, v16  }
0x135: {  	v13 =	vld [tilespmem:s23+$0x0];
	v4 =	vmul.f32 v5, v4  }
0x136: {  	v7 =	vld [tilespmem:s17+$0x0];
	v6 =	vadd.f32 v6, v8;
	v8 =	vadd.f32 v11, v9;
	v9 =	vmul.f32 v19, v18  }
0x137: {  	v5 =	vld [tilespmem:s17+$0x10]  }
0x138: {  	v14 =	vld [tilespmem:s17+$0x20];
	v4 =	vadd.f32 v4, v6;
	v6 =	vadd.f32 v9, v8  }
0x139: {  	v15 =	vld [tilespmem:s23+$0xFFFFFF40]  }
0x13a: {  	v21 =	vmul.f32 v57, v56;
	v56 =	vld [tilespmem:s17+$0x50];
	v4 =	vadd.f32 v6, v4  }
0x13b: {  	v52 =	vmul.f32 v59, v58;
	v58 =	vld [tilespmem:s23+$0xFFFFFF60]  }
0x13c: {  	v54 =	vmul.f32 v61, v60;
	v60 =	vld [tilespmem:s17+$0xFFFFFF60];
	v16 =	vperm.xlane v4, v0  }
0x13d: {  	v61 =	vld [tilespmem:s23+$0xFFFFFF70]  }
0x13e: {  	v55 =	vmul.f32 v63, v62;
	v62 =	vld [tilespmem:s23+$0xFFFFFFE0];
	v4 =	vadd.f32 v4, v16  }
0x13f: {  	v12 =	vld [tilespmem:s23+$0x10]  }
0x140: {  	v17 =	vld [tilespmem:s17+$0xFFFFFF40];
	v45 =	vperm.xlane v4, v1  }
0x141: {  	v11 =	vld [tilespmem:s23+$0x20]  }
0x142: {  	v8 =	vld [tilespmem:s23+$0x30];
	v4 =	vadd.f32 v4, v45  }
0x143: {  	v6 =	vld [tilespmem:s23+$0xFFFFFF00]  }
0x144: {  	v9 =	vld [tilespmem:s17+$0x30];
	v50 =	vperm.xlane v4, v2  }
0x145: {  	v57 =	vmul.f32 v43, v42;
	v23 =	vmul.f32 v24, v23;
	v18 =	vld [tilespmem:s23+$0xFFFFFF50]  }
0x146: {  	v10 =	vmul.f32 v10, v44;
	v7 =	vmul.f32 v7, v13;
	v16 =	vld [tilespmem:s17+$0xFFFFFF50];
	v4 =	vadd.f32 v4, v50  }
0x147: {  	v21 =	vadd.f32 v52, v21;
	v19 =	vld [tilespmem:s23+$0xFFFFFFC0];
	v63 =	vmul.f32 v60, v58;
	v5 =	vmul.f32 v5, v12  }
0x148: {  	v26 =	vadd.f32 v57, v54;
	v13 =	vld [tilespmem:s17+$0xFFFFFF70];
	v6 =	vmul.f32 v20, v6;
	v59 =	vperm.xlane v4, v3  }
0x149: {  	v27 =	vadd.f32 v10, v55;
	v8 =	vmul.f32 v9, v8;
	v9 =	vmul.f32 v17, v15;
	v15 =	vld [tilespmem:s17+$0xFFFFFFE0]  }
0x14a: {  	s24 =	simm.s32 $0x83;
	v48 =	vld [tilespmem:s17+$0xFFFFFFD0];
	v6 =	vadd.f32 v23, v6;
	v12 =	vadd.f32 v4, v59;
	v4 =	vmul.f32 v14, v11  }
0x14b: {  	v10 =	vmul.f32 v16, v18;
	v16 =	vadd.f32 v8, v5;
	v14 =	vmov s24  }
0x14c: {  	v8 =	vld [tilespmem:s23+$0xFFFFFFF0];
	v17 =	vadd.f32 v9, v6;
	v7 =	vadd.f32 v4, v7;
	v4 =	vmul.f32 v46, v19  }
0x14d: {  	v6 =	vmul.f32 v51, v49;
	v18 =	vadd.f32 v10, v21;
	v10 =	vld [tilespmem:s17+$0xFFFFFFF0];
	v19 =	vmul.f32 v56, v53  }
0x14e: {  	v13 =	vmul.f32 v13, v61;
	v15 =	vmul.f32 v15, v62;
	v9 =	vld [tilespmem:s23+$0x60];
	v4 =	vadd.f32 v4, v26  }
0x14f: {  	v5 =	vmul.f32 v48, v47;
	v11 =	vld [tilespmem:s17+$0x60];
	v7 =	vadd.f32 v6, v7;
	v6 =	vadd.f32 v19, v16  }
0x150: {  	v16 =	vadd.f32 v13, v18;
	v13 =	vld [tilespmem:s17+$0x70];
	[tilespmem:v14+s25+$0x0] =	vst.idx.msk $0x1, v12;
	v14 =	vadd.f32 v63, v17  }
0x151: {  	s18 =	simm.s32 $0xFFFFFFFC;
	s21 =	simm.s32 $0x0;
	s22 =	simm.s32 $0x8B00;
	v5 =	vadd.f32 v5, v27;
	v12 =	vld [tilespmem:s23+$0x70]  }
.LBB2_4:
0x152: {  	v17 =	vld [tilespmem:s22+$0xE0];
	v14 =	vadd.f32 v16, v14;
	v4 =	vadd.f32 v15, v4;
	v8 =	vmul.f32 v10, v8;
	s17 =	sadd.s32 $0x200, s17;
	s23 =	smov.u32 s21  }
0x153: {  	v10 =	vld [tilespmem:s17+$0xE0]  }
0x154: {  	v15 =	vld [tilespmem:s22+$0xC0];
	v16 =	vperm.xlane v14, v0;
	v5 =	vadd.f32 v8, v5;
	v8 =	vmul.f32 v11, v9  }
0x155: {  	v9 =	vld [tilespmem:s17+$0xC0]  }
0x156: {  	v11 =	vld [tilespmem:s22+$0x80];
	v4 =	vadd.f32 v5, v4;
	v5 =	vadd.f32 v8, v7;
	v7 =	vmul.f32 v13, v12  }
0x157: {  	v12 =	vadd.f32 v14, v16;
	v8 =	vld [tilespmem:s17+$0x80]  }
0x158: {  	v13 =	vld [tilespmem:s22+$0x90];
	v14 =	vperm.xlane v4, v0;
	v6 =	vadd.f32 v7, v6  }
0x159: {  	v16 =	vperm.xlane v12, v1;
	v7 =	vld [tilespmem:s17+$0x90]  }
0x15a: {  	v18 =	vld [tilespmem:s22+$0xA0];
	v4 =	vadd.f32 v4, v14;
	v5 =	vadd.f32 v6, v5  }
0x15b: {  	s24 =	sadd.s32 $0x84, s18;
	v12 =	vadd.f32 v12, v16;
	v6 =	vld [tilespmem:s17+$0xA0]  }
0x15c: {  	v16 =	vmov s24;
	s24 =	sadd.s32 $0x85, s18;
	v14 =	vld [tilespmem:s22+$0xB0];
	v19 =	vperm.xlane v4, v1;
	v20 =	vperm.xlane v5, v0  }
0x15d: {  	s21 =	sadd.s32 $0x4, s21;
	v16 =	vand.u32 $0xFFFFFFFC, v16;
	v23 =	vmov s24;
	v22 =	vperm.xlane v12, v2;
	v21 =	vld [tilespmem:s17+$0xB0]  }
0x15e: {  	p0 =	slt.u32 s21, $0x7C;
	v24 =	vld [tilespmem:s22+$0xD0];
	v4 =	vadd.f32 v4, v19;
	v19 =	vand.u32 $0xFFFFFFFD, v23;
	v5 =	vadd.f32 v5, v20  }
0x15f: {  	s24 =	sadd.s32 $0x86, s18;
	s18 =	smov.u32 s23;
	v16 =	vbroadcast v16, $0x0;
	v12 =	vadd.f32 v12, v22;
	v20 =	vld [tilespmem:s17+$0xD0];
	v19 =	vbroadcast v19, $0x0  }
0x160: {  	v26 =	vmov s24;
	v22 =	vld [tilespmem:s22+$0xF0];
	v23 =	vperm.xlane v4, v2;
	v25 =	vperm.xlane v5, v1  }
0x161: {  	v8 =	vmul.f32 v8, v11;
	v7 =	vmul.f32 v7, v13;
	v13 =	vand.u32 $0xFFFFFFFE, v26;
	v11 =	vld [tilespmem:s17+$0xF0]  }
0x162: {  	v6 =	vmul.f32 v6, v18;
	v26 =	vld [tilespmem:s17+$0xFFFFFF00];
	v14 =	vmul.f32 v21, v14;
	v5 =	vadd.f32 v5, v25  }
0x163: {  	v9 =	vmul.f32 v9, v15;
	v15 =	vperm.xlane v12, v3;
	v4 =	vadd.f32 v4, v23;
	v18 =	vld [tilespmem:s22+$0xFFFFFF10]  }
0x164: {  	v6 =	vadd.f32 v6, v8;
	v21 =	vld [tilespmem:s17+$0xFFFFFF10];
	v7 =	vadd.f32 v14, v7;
	v8 =	vmul.f32 v20, v24  }
0x165: {  	v10 =	vmul.f32 v10, v17;
	v12 =	vadd.f32 v12, v15;
	v15 =	vperm.xlane v5, v2;
	v14 =	vld [tilespmem:s22+$0xFFFFFF20]  }
0x166: {  	v6 =	vadd.f32 v9, v6;
	v17 =	vld [tilespmem:s17+$0xFFFFFF20];
	v7 =	vadd.f32 v8, v7;
	v8 =	vmul.f32 v11, v22  }
0x167: {  	v11 =	vperm.xlane v4, v3;
	v5 =	vadd.f32 v5, v15;
	v9 =	vld [tilespmem:s22+$0xFFFFFF30];
	[tilespmem:v16+s25+$0x0] =	vst.idx.msk $0x1, v12;
	v12 =	vbroadcast v13, $0x0  }
0x168: {  	v6 =	vadd.f32 v10, v6;
	v13 =	vld [tilespmem:s17+$0xFFFFFF30];
	v7 =	vadd.f32 v8, v7  }
0x169: {  	v4 =	vadd.f32 v4, v11;
	v11 =	vperm.xlane v5, v3;
	v8 =	vmul.f32 v21, v18;
	v10 =	vld [tilespmem:s22+$0xFFFFFF80]  }
0x16a: {  	v15 =	vld [tilespmem:s17+$0xFFFFFF80];
	v6 =	vadd.f32 v7, v6  }
0x16b: {  	v7 =	vmul.f32 v17, v14;
	v14 =	vld [tilespmem:s22+$0xFFFFFF90];
	[tilespmem:v19+s25+$0x0] =	vst.idx.msk $0x1, v4;
	v4 =	vadd.f32 v5, v11  }
0x16c: {  	v5 =	vld [tilespmem:s17+$0xFFFFFF90];
	v11 =	vperm.xlane v6, v0  }
0x16d: {  	v9 =	vmul.f32 v13, v9;
	v13 =	vld [tilespmem:s22+$0xFFFFFFA0];
	[tilespmem:v12+s25+$0x0] =	vst.idx.msk $0x1, v4  }
0x16e: {  	v4 =	vld [tilespmem:s17+$0xFFFFFFA0];
	v6 =	vadd.f32 v6, v11  }
0x16f: {  	v8 =	vadd.f32 v9, v8;
	v9 =	vmul.f32 v15, v10;
	v10 =	vld [tilespmem:s22+$0xFFFFFFB0]  }
0x170: {  	v11 =	vld [tilespmem:s17+$0xFFFFFFB0];
	v12 =	vperm.xlane v6, v1  }
0x171: {  	v5 =	vmul.f32 v5, v14;
	v14 =	vld [tilespmem:s22+$0x0]  }
0x172: {  	v15 =	vld [tilespmem:s17+$0x0];
	v6 =	vadd.f32 v6, v12  }
0x173: {  	v4 =	vmul.f32 v4, v13;
	v12 =	vld [tilespmem:s22+$0x10]  }
0x174: {  	v13 =	vld [tilespmem:s17+$0x10];
	v16 =	vperm.xlane v6, v2  }
0x175: {  	v4 =	vadd.f32 v4, v9;
	v9 =	vmul.f32 v11, v10;
	v10 =	vld [tilespmem:s22+$0x20]  }
0x176: {  	s23 =	sadd.s32 $0x87, s18;
	v11 =	vld [tilespmem:s17+$0x20];
	v6 =	vadd.f32 v6, v16  }
0x177: {  	v5 =	vadd.f32 v9, v5;
	v9 =	vmul.f32 v15, v14;
	v14 =	vld [tilespmem:s22+$0x30];
	v15 =	vmov s23  }
0x178: {  	v16 =	vld [tilespmem:s17+$0x30];
	v17 =	vperm.xlane v6, v3  }
0x179: {  	v18 =	vld [tilespmem:s22+$0xFFFFFF00];
	v12 =	vmul.f32 v13, v12  }
0x17a: {  	v13 =	vld [tilespmem:s22+$0xFFFFFF40];
	v6 =	vadd.f32 v6, v17  }
0x17b: {  	v17 =	vld [tilespmem:s17+$0xFFFFFF40];
	v10 =	vmul.f32 v11, v10  }
0x17c: {  	v11 =	vld [tilespmem:s22+$0xFFFFFF50];
	[tilespmem:v15+s25+$0x0] =	vst.idx.msk $0x1, v6  }
0x17d: {  	v6 =	vld [tilespmem:s17+$0xFFFFFF50];
	v9 =	vadd.f32 v10, v9;
	v10 =	vmul.f32 v16, v14  }
0x17e: {  	v14 =	vmul.f32 v26, v18;
	v15 =	vld [tilespmem:s22+$0xFFFFFFC0]  }
0x17f: {  	v16 =	vld [tilespmem:s17+$0xFFFFFFC0];
	v10 =	vadd.f32 v10, v12  }
0x180: {  	v7 =	vadd.f32 v7, v14;
	v12 =	vmul.f32 v17, v13;
	v13 =	vld [tilespmem:s22+$0xFFFFFFD0]  }
0x181: {  	v14 =	vld [tilespmem:s17+$0xFFFFFFD0]  }
0x182: {  	v12 =	vadd.f32 v12, v7;
	v6 =	vmul.f32 v6, v11;
	v7 =	vld [tilespmem:s22+$0x40]  }
0x183: {  	v11 =	vld [tilespmem:s17+$0x40]  }
0x184: {  	v17 =	vadd.f32 v6, v8;
	v6 =	vmul.f32 v16, v15;
	v8 =	vld [tilespmem:s22+$0x50]  }
0x185: {  	v15 =	vld [tilespmem:s17+$0x50]  }
0x186: {  	v16 =	vld [tilespmem:s22+$0xFFFFFF60];
	v4 =	vadd.f32 v6, v4;
	v6 =	vmul.f32 v14, v13  }
0x187: {  	v13 =	vld [tilespmem:s17+$0xFFFFFF60]  }
0x188: {  	v18 =	vld [tilespmem:s22+$0xFFFFFF70];
	v5 =	vadd.f32 v6, v5;
	v6 =	vmul.f32 v11, v7  }
0x189: {  	v11 =	vld [tilespmem:s17+$0xFFFFFF70]  }
0x18a: {  	v19 =	vld [tilespmem:s22+$0xFFFFFFE0];
	v7 =	vadd.f32 v6, v9;
	v6 =	vmul.f32 v15, v8  }
0x18b: {  	v15 =	vld [tilespmem:s17+$0xFFFFFFE0]  }
0x18c: {  	v9 =	vmul.f32 v13, v16;
	v8 =	vld [tilespmem:s22+$0xFFFFFFF0];
	v6 =	vadd.f32 v6, v10  }
.Ltmp1:
0x18d: {  	v10 =	vld [tilespmem:s17+$0xFFFFFFF0];
	(pc) =	sbr.rel @p0 .LBB2_4-.Ltmp1, $4  }
0x18e: {  	v14 =	vadd.f32 v9, v12;
	v12 =	vmul.f32 v11, v18;
	v9 =	vld [tilespmem:s22+$0x60]  }
0x18f: {  	v11 =	vld [tilespmem:s17+$0x60]  }
0x190: {  	v16 =	vadd.f32 v12, v17;
	v15 =	vmul.f32 v15, v19;
	v12 =	vld [tilespmem:s22+$0x70]  }
0x191: {  	s22 =	sadd.s32 $0x200, s22;
	v13 =	vld [tilespmem:s17+$0x70]  }
0x192: {  	_ =	sdelay $0x2  }
0x193: {  	v8 =	vmul.f32 v10, v8  }
0x194: {  	v10 =	vadd.f32 v16, v14;
	v9 =	vmul.f32 v11, v9;
	v11 =	vmul.f32 v13, v12  }
0x195: {  	v4 =	vadd.f32 v15, v4;
	v5 =	vadd.f32 v8, v5  }
0x196: {  	v7 =	vadd.f32 v9, v7;
	v6 =	vadd.f32 v11, v6  }
0x197: {  	v8 =	vperm.xlane v10, v0;
	v4 =	vadd.f32 v5, v4  }
0x198: {  	v5 =	vadd.f32 v6, v7  }
0x199: {  	v6 =	vadd.f32 v10, v8;
	v7 =	vperm.xlane v4, v0  }
0x19a: {  	v8 =	vperm.xlane v5, v0  }
0x19b: {  	v9 =	vperm.xlane v6, v1;
	v4 =	vadd.f32 v4, v7  }
0x19c: {  	v5 =	vadd.f32 v5, v8  }
0x19d: {  	v6 =	vadd.f32 v6, v9;
	v7 =	vperm.xlane v4, v1  }
0x19e: {  	s17 =	sadd.s32 $0x84, s18;
	v8 =	vperm.xlane v5, v1  }
0x19f: {  	s22 =	sadd.s32 $0x85, s18;
	v9 =	vmov s17;
	v10 =	vperm.xlane v6, v2;
	v4 =	vadd.f32 v4, v7  }
0x1a0: {  	v7 =	vand.u32 $0xFFFFFFFC, v9;
	v9 =	vmov s22;
	v5 =	vadd.f32 v5, v8  }
0x1a1: {  	s23 =	sadd.s32 $0x86, s18;
	v7 =	vbroadcast v7, $0x0;
	v8 =	vand.u32 $0xFFFFFFFD, v9;
	v9 =	vperm.xlane v4, v2  }
0x1a2: {  	v6 =	vadd.f32 v6, v10;
	v10 =	vmov s23;
	v11 =	vperm.xlane v5, v2  }
0x1a3: {  	v8 =	vbroadcast v8, $0x0;
	v10 =	vand.u32 $0xFFFFFFFE, v10;
	v4 =	vadd.f32 v4, v9  }
0x1a4: {  	v9 =	vperm.xlane v6, v3;
	v10 =	vbroadcast v10, $0x0;
	v5 =	vadd.f32 v5, v11  }
0x1a5: {  	v11 =	vperm.xlane v4, v3  }
0x1a6: {  	v6 =	vadd.f32 v6, v9;
	v9 =	vperm.xlane v5, v3  }
0x1a7: {  	v4 =	vadd.f32 v4, v11  }
0x1a8: {  	[tilespmem:v7+s25+$0x0] =	vst.idx.msk $0x1, v6;
	v5 =	vadd.f32 v5, v9  }
0x1a9: {  	[tilespmem:v8+s25+$0x0] =	vst.idx.msk $0x1, v4  }
0x1aa: {  	[tilespmem:v10+s25+$0x0] =	vst.idx.msk $0x1, v5  }
0x1ab: {  	_ =	swait.ge [sflag:s31], $0x4000  }
0x1ac: {  	[sflag:s31] =	ssyncset.done $0x0  }
0x1ad: {  	[sflag:s31] =	ssyncadd.s32 $0xFFFFC000  }
0x1ae: {  	_ =	swait.ge [sflag:s0], $0x4000  }
0x1af: {  	[sflag:s0] =	ssyncset.done $0x0  }
0x1b0: {  	s24 =	simm.s32 $0x10900;
	[sflag:s0] =	ssyncadd.s32 $0xFFFFC000  }
0x1b1: {  	s17 =	simm.s32 $0x14900;
	v4 =	vld [tilespmem:s24+$0xE0]  }
0x1b2: {  	v5 =	vld [tilespmem:s17+$0xE0]  }
0x1b3: {  	v6 =	vld [tilespmem:s24+$0xC0]  }
0x1b4: {  	v7 =	vld [tilespmem:s17+$0xC0]  }
0x1b5: {  	v8 =	vld [tilespmem:s24+$0x80]  }
0x1b6: {  	v9 =	vld [tilespmem:s17+$0x80]  }
0x1b7: {  	v10 =	vld [tilespmem:s24+$0x90]  }
0x1b8: {  	v11 =	vld [tilespmem:s17+$0x90]  }
0x1b9: {  	v12 =	vld [tilespmem:s24+$0xA0]  }
0x1ba: {  	v13 =	vld [tilespmem:s17+$0xA0]  }
0x1bb: {  	v14 =	vld [tilespmem:s24+$0xB0]  }
0x1bc: {  	v15 =	vld [tilespmem:s17+$0xB0]  }
0x1bd: {  	v16 =	vld [tilespmem:s24+$0xD0]  }
0x1be: {  	v17 =	vld [tilespmem:s17+$0xD0]  }
0x1bf: {  	v18 =	vld [tilespmem:s24+$0xF0]  }
0x1c0: {  	v19 =	vld [tilespmem:s17+$0xF0]  }
0x1c1: {  	v20 =	vld [tilespmem:s17+$0xFFFFFF00]  }
0x1c2: {  	v21 =	vld [tilespmem:s24+$0xFFFFFF10]  }
0x1c3: {  	v22 =	vld [tilespmem:s17+$0xFFFFFF10]  }
0x1c4: {  	v23 =	vld [tilespmem:s24+$0xFFFFFF20]  }
0x1c5: {  	v24 =	vld [tilespmem:s17+$0xFFFFFF20]  }
0x1c6: {  	v25 =	vld [tilespmem:s24+$0xFFFFFF30]  }
0x1c7: {  	v26 =	vld [tilespmem:s17+$0xFFFFFF30]  }
0x1c8: {  	v27 =	vld [tilespmem:s24+$0xFFFFFF80]  }
0x1c9: {  	v28 =	vld [tilespmem:s17+$0xFFFFFF80]  }
0x1ca: {  	v29 =	vld [tilespmem:s24+$0xFFFFFF90]  }
0x1cb: {  	v30 =	vld [tilespmem:s17+$0xFFFFFF90]  }
0x1cc: {  	v31 =	vld [tilespmem:s24+$0xFFFFFFA0]  }
0x1cd: {  	v32 =	vld [tilespmem:s17+$0xFFFFFFA0]  }
0x1ce: {  	v33 =	vld [tilespmem:s24+$0xFFFFFFB0]  }
0x1cf: {  	v35 =	vld [tilespmem:s17+$0xFFFFFFC0]  }
0x1d0: {  	v36 =	vld [tilespmem:s24+$0xFFFFFFD0]  }
0x1d1: {  	v37 =	vld [tilespmem:s24+$0x40];
	v8 =	vmul.f32 v9, v8;
	v9 =	vmul.f32 v11, v10  }
0x1d2: {  	v39 =	vld [tilespmem:s17+$0x40];
	v11 =	vmul.f32 v13, v12;
	v12 =	vmul.f32 v15, v14  }
0x1d3: {  	v53 =	vld [tilespmem:s24+$0x50];
	v6 =	vmul.f32 v7, v6  }
0x1d4: {  	v56 =	vld [tilespmem:s17+$0x50];
	v8 =	vadd.f32 v11, v8;
	v9 =	vadd.f32 v12, v9;
	v11 =	vmul.f32 v17, v16  }
0x1d5: {  	v58 =	vld [tilespmem:s24+$0xFFFFFF60];
	v4 =	vmul.f32 v5, v4  }
0x1d6: {  	v60 =	vld [tilespmem:s17+$0xFFFFFF60];
	v6 =	vadd.f32 v6, v8;
	v8 =	vadd.f32 v11, v9;
	v9 =	vmul.f32 v19, v18  }
0x1d7: {  	v61 =	vld [tilespmem:s24+$0xFFFFFF70]  }
0x1d8: {  	v62 =	vld [tilespmem:s24+$0xFFFFFFE0];
	v4 =	vadd.f32 v4, v6;
	v6 =	vadd.f32 v9, v8  }
0x1d9: {  	v10 =	vld [tilespmem:s17+$0xFFFFFFB0]  }
0x1da: {  	v13 =	vld [tilespmem:s24+$0x0];
	v4 =	vadd.f32 v6, v4  }
0x1db: {  	v7 =	vld [tilespmem:s17+$0x0]  }
0x1dc: {  	v5 =	vld [tilespmem:s17+$0x10];
	v16 =	vperm.xlane v4, v0  }
0x1dd: {  	v14 =	vld [tilespmem:s17+$0x20]  }
0x1de: {  	v15 =	vld [tilespmem:s24+$0xFFFFFF40];
	v4 =	vadd.f32 v4, v16  }
0x1df: {  	v12 =	vld [tilespmem:s24+$0x10]  }
0x1e0: {  	v17 =	vld [tilespmem:s17+$0xFFFFFF40];
	v34 =	vperm.xlane v4, v1  }
0x1e1: {  	v11 =	vld [tilespmem:s24+$0x20]  }
0x1e2: {  	v21 =	vmul.f32 v22, v21;
	v8 =	vld [tilespmem:s24+$0x30];
	v4 =	vadd.f32 v4, v34  }
0x1e3: {  	v52 =	vmul.f32 v26, v25;
	v54 =	vmul.f32 v28, v27;
	v6 =	vld [tilespmem:s24+$0xFFFFFF00]  }
0x1e4: {  	v55 =	vmul.f32 v30, v29;
	v9 =	vld [tilespmem:s17+$0x30];
	v38 =	vperm.xlane v4, v2  }
0x1e5: {  	v57 =	vmul.f32 v32, v31;
	v23 =	vmul.f32 v24, v23;
	v18 =	vld [tilespmem:s24+$0xFFFFFF50]  }
0x1e6: {  	v63 =	vmul.f32 v60, v58;
	v10 =	vmul.f32 v10, v33;
	v16 =	vld [tilespmem:s17+$0xFFFFFF50];
	v4 =	vadd.f32 v4, v38  }
0x1e7: {  	v21 =	vadd.f32 v52, v21;
	v19 =	vld [tilespmem:s24+$0xFFFFFFC0];
	v7 =	vmul.f32 v7, v13;
	v5 =	vmul.f32 v5, v12  }
0x1e8: {  	v26 =	vadd.f32 v57, v54;
	v13 =	vld [tilespmem:s17+$0xFFFFFF70];
	v6 =	vmul.f32 v20, v6;
	v59 =	vperm.xlane v4, v3  }
0x1e9: {  	v27 =	vadd.f32 v10, v55;
	v8 =	vmul.f32 v9, v8;
	v9 =	vmul.f32 v17, v15;
	v15 =	vld [tilespmem:s17+$0xFFFFFFE0]  }
0x1ea: {  	s21 =	simm.s32 $0x103;
	v51 =	vld [tilespmem:s17+$0xFFFFFFD0];
	v6 =	vadd.f32 v23, v6;
	v12 =	vadd.f32 v4, v59;
	v4 =	vmul.f32 v14, v11  }
0x1eb: {  	v10 =	vmul.f32 v16, v18;
	v16 =	vadd.f32 v8, v5;
	v14 =	vmov s21  }
0x1ec: {  	v8 =	vld [tilespmem:s24+$0xFFFFFFF0];
	v17 =	vadd.f32 v9, v6;
	v7 =	vadd.f32 v4, v7;
	v4 =	vmul.f32 v35, v19  }
0x1ed: {  	v6 =	vmul.f32 v39, v37;
	v18 =	vadd.f32 v10, v21;
	v10 =	vld [tilespmem:s17+$0xFFFFFFF0];
	v19 =	vmul.f32 v56, v53  }
0x1ee: {  	v13 =	vmul.f32 v13, v61;
	v15 =	vmul.f32 v15, v62;
	v9 =	vld [tilespmem:s24+$0x60];
	v4 =	vadd.f32 v4, v26  }
0x1ef: {  	v5 =	vmul.f32 v51, v36;
	v11 =	vld [tilespmem:s17+$0x60];
	v7 =	vadd.f32 v6, v7;
	v6 =	vadd.f32 v19, v16  }
0x1f0: {  	v16 =	vadd.f32 v13, v18;
	v13 =	vld [tilespmem:s17+$0x70];
	[tilespmem:v14+s25+$0x0] =	vst.idx.msk $0x1, v12;
	v14 =	vadd.f32 v63, v17  }
0x1f1: {  	s18 =	simm.s32 $0xFFFFFFFC;
	s22 =	simm.s32 $0x10B00;
	v5 =	vadd.f32 v5, v27;
	s21 =	simm.s32 $0x0;
	v12 =	vld [tilespmem:s24+$0x70]  }
.LBB2_6:
0x1f2: {  	v17 =	vld [tilespmem:s22+$0xE0];
	v14 =	vadd.f32 v16, v14;
	v4 =	vadd.f32 v15, v4;
	v8 =	vmul.f32 v10, v8;
	s17 =	sadd.s32 $0x200, s17;
	s23 =	smov.u32 s21  }
0x1f3: {  	v10 =	vld [tilespmem:s17+$0xE0]  }
0x1f4: {  	v15 =	vld [tilespmem:s22+$0xC0];
	v16 =	vperm.xlane v14, v0;
	v5 =	vadd.f32 v8, v5;
	v8 =	vmul.f32 v11, v9  }
0x1f5: {  	v9 =	vld [tilespmem:s17+$0xC0]  }
0x1f6: {  	v11 =	vld [tilespmem:s22+$0x80];
	v4 =	vadd.f32 v5, v4;
	v5 =	vadd.f32 v8, v7;
	v7 =	vmul.f32 v13, v12  }
0x1f7: {  	v12 =	vadd.f32 v14, v16;
	v8 =	vld [tilespmem:s17+$0x80]  }
0x1f8: {  	v13 =	vld [tilespmem:s22+$0x90];
	v14 =	vperm.xlane v4, v0;
	v6 =	vadd.f32 v7, v6  }
0x1f9: {  	v16 =	vperm.xlane v12, v1;
	v7 =	vld [tilespmem:s17+$0x90]  }
0x1fa: {  	v18 =	vld [tilespmem:s22+$0xA0];
	v4 =	vadd.f32 v4, v14;
	v5 =	vadd.f32 v6, v5  }
0x1fb: {  	s24 =	sadd.s32 $0x104, s18;
	v12 =	vadd.f32 v12, v16;
	v6 =	vld [tilespmem:s17+$0xA0]  }
0x1fc: {  	v16 =	vmov s24;
	s24 =	sadd.s32 $0x105, s18;
	v14 =	vld [tilespmem:s22+$0xB0];
	v19 =	vperm.xlane v4, v1;
	v20 =	vperm.xlane v5, v0  }
0x1fd: {  	s21 =	sadd.s32 $0x4, s21;
	v16 =	vand.u32 $0xFFFFFFFC, v16;
	v23 =	vmov s24;
	v22 =	vperm.xlane v12, v2;
	v21 =	vld [tilespmem:s17+$0xB0]  }
0x1fe: {  	p0 =	slt.u32 s21, $0x7C;
	v24 =	vld [tilespmem:s22+$0xD0];
	v4 =	vadd.f32 v4, v19;
	v19 =	vand.u32 $0xFFFFFFFD, v23;
	v5 =	vadd.f32 v5, v20  }
0x1ff: {  	s24 =	sadd.s32 $0x106, s18;
	s18 =	smov.u32 s23;
	v16 =	vbroadcast v16, $0x0;
	v12 =	vadd.f32 v12, v22;
	v20 =	vld [tilespmem:s17+$0xD0];
	v19 =	vbroadcast v19, $0x0  }
0x200: {  	v26 =	vmov s24;
	v22 =	vld [tilespmem:s22+$0xF0];
	v23 =	vperm.xlane v4, v2;
	v25 =	vperm.xlane v5, v1  }
0x201: {  	v8 =	vmul.f32 v8, v11;
	v7 =	vmul.f32 v7, v13;
	v13 =	vand.u32 $0xFFFFFFFE, v26;
	v11 =	vld [tilespmem:s17+$0xF0]  }
0x202: {  	v6 =	vmul.f32 v6, v18;
	v26 =	vld [tilespmem:s17+$0xFFFFFF00];
	v14 =	vmul.f32 v21, v14;
	v5 =	vadd.f32 v5, v25  }
0x203: {  	v9 =	vmul.f32 v9, v15;
	v15 =	vperm.xlane v12, v3;
	v4 =	vadd.f32 v4, v23;
	v18 =	vld [tilespmem:s22+$0xFFFFFF10]  }
0x204: {  	v6 =	vadd.f32 v6, v8;
	v21 =	vld [tilespmem:s17+$0xFFFFFF10];
	v7 =	vadd.f32 v14, v7;
	v8 =	vmul.f32 v20, v24  }
0x205: {  	v10 =	vmul.f32 v10, v17;
	v12 =	vadd.f32 v12, v15;
	v15 =	vperm.xlane v5, v2;
	v14 =	vld [tilespmem:s22+$0xFFFFFF20]  }
0x206: {  	v6 =	vadd.f32 v9, v6;
	v17 =	vld [tilespmem:s17+$0xFFFFFF20];
	v7 =	vadd.f32 v8, v7;
	v8 =	vmul.f32 v11, v22  }
0x207: {  	v11 =	vperm.xlane v4, v3;
	v5 =	vadd.f32 v5, v15;
	v9 =	vld [tilespmem:s22+$0xFFFFFF30];
	[tilespmem:v16+s25+$0x0] =	vst.idx.msk $0x1, v12;
	v12 =	vbroadcast v13, $0x0  }
0x208: {  	v6 =	vadd.f32 v10, v6;
	v13 =	vld [tilespmem:s17+$0xFFFFFF30];
	v7 =	vadd.f32 v8, v7  }
0x209: {  	v4 =	vadd.f32 v4, v11;
	v11 =	vperm.xlane v5, v3;
	v8 =	vmul.f32 v21, v18;
	v10 =	vld [tilespmem:s22+$0xFFFFFF80]  }
0x20a: {  	v15 =	vld [tilespmem:s17+$0xFFFFFF80];
	v6 =	vadd.f32 v7, v6  }
0x20b: {  	v7 =	vmul.f32 v17, v14;
	v14 =	vld [tilespmem:s22+$0xFFFFFF90];
	[tilespmem:v19+s25+$0x0] =	vst.idx.msk $0x1, v4;
	v4 =	vadd.f32 v5, v11  }
0x20c: {  	v5 =	vld [tilespmem:s17+$0xFFFFFF90];
	v11 =	vperm.xlane v6, v0  }
0x20d: {  	v9 =	vmul.f32 v13, v9;
	v13 =	vld [tilespmem:s22+$0xFFFFFFA0];
	[tilespmem:v12+s25+$0x0] =	vst.idx.msk $0x1, v4  }
0x20e: {  	v4 =	vld [tilespmem:s17+$0xFFFFFFA0];
	v6 =	vadd.f32 v6, v11  }
0x20f: {  	v8 =	vadd.f32 v9, v8;
	v9 =	vmul.f32 v15, v10;
	v10 =	vld [tilespmem:s22+$0xFFFFFFB0]  }
0x210: {  	v11 =	vld [tilespmem:s17+$0xFFFFFFB0];
	v12 =	vperm.xlane v6, v1  }
0x211: {  	v5 =	vmul.f32 v5, v14;
	v14 =	vld [tilespmem:s22+$0x0]  }
0x212: {  	v15 =	vld [tilespmem:s17+$0x0];
	v6 =	vadd.f32 v6, v12  }
0x213: {  	v4 =	vmul.f32 v4, v13;
	v12 =	vld [tilespmem:s22+$0x10]  }
0x214: {  	v13 =	vld [tilespmem:s17+$0x10];
	v16 =	vperm.xlane v6, v2  }
0x215: {  	v4 =	vadd.f32 v4, v9;
	v9 =	vmul.f32 v11, v10;
	v10 =	vld [tilespmem:s22+$0x20]  }
0x216: {  	s23 =	sadd.s32 $0x107, s18;
	v11 =	vld [tilespmem:s17+$0x20];
	v6 =	vadd.f32 v6, v16  }
0x217: {  	v5 =	vadd.f32 v9, v5;
	v9 =	vmul.f32 v15, v14;
	v14 =	vld [tilespmem:s22+$0x30];
	v15 =	vmov s23  }
0x218: {  	v16 =	vld [tilespmem:s17+$0x30];
	v17 =	vperm.xlane v6, v3  }
0x219: {  	v18 =	vld [tilespmem:s22+$0xFFFFFF00];
	v12 =	vmul.f32 v13, v12  }
0x21a: {  	v13 =	vld [tilespmem:s22+$0xFFFFFF40];
	v6 =	vadd.f32 v6, v17  }
0x21b: {  	v17 =	vld [tilespmem:s17+$0xFFFFFF40];
	v10 =	vmul.f32 v11, v10  }
0x21c: {  	v11 =	vld [tilespmem:s22+$0xFFFFFF50];
	[tilespmem:v15+s25+$0x0] =	vst.idx.msk $0x1, v6  }
0x21d: {  	v6 =	vld [tilespmem:s17+$0xFFFFFF50];
	v9 =	vadd.f32 v10, v9;
	v10 =	vmul.f32 v16, v14  }
0x21e: {  	v14 =	vmul.f32 v26, v18;
	v15 =	vld [tilespmem:s22+$0xFFFFFFC0]  }
0x21f: {  	v16 =	vld [tilespmem:s17+$0xFFFFFFC0];
	v10 =	vadd.f32 v10, v12  }
0x220: {  	v7 =	vadd.f32 v7, v14;
	v12 =	vmul.f32 v17, v13;
	v13 =	vld [tilespmem:s22+$0xFFFFFFD0]  }
0x221: {  	v14 =	vld [tilespmem:s17+$0xFFFFFFD0]  }
0x222: {  	v12 =	vadd.f32 v12, v7;
	v6 =	vmul.f32 v6, v11;
	v7 =	vld [tilespmem:s22+$0x40]  }
0x223: {  	v11 =	vld [tilespmem:s17+$0x40]  }
0x224: {  	v17 =	vadd.f32 v6, v8;
	v6 =	vmul.f32 v16, v15;
	v8 =	vld [tilespmem:s22+$0x50]  }
0x225: {  	v15 =	vld [tilespmem:s17+$0x50]  }
0x226: {  	v16 =	vld [tilespmem:s22+$0xFFFFFF60];
	v4 =	vadd.f32 v6, v4;
	v6 =	vmul.f32 v14, v13  }
0x227: {  	v13 =	vld [tilespmem:s17+$0xFFFFFF60]  }
0x228: {  	v18 =	vld [tilespmem:s22+$0xFFFFFF70];
	v5 =	vadd.f32 v6, v5;
	v6 =	vmul.f32 v11, v7  }
0x229: {  	v11 =	vld [tilespmem:s17+$0xFFFFFF70]  }
0x22a: {  	v19 =	vld [tilespmem:s22+$0xFFFFFFE0];
	v7 =	vadd.f32 v6, v9;
	v6 =	vmul.f32 v15, v8  }
0x22b: {  	v15 =	vld [tilespmem:s17+$0xFFFFFFE0]  }
0x22c: {  	v9 =	vmul.f32 v13, v16;
	v8 =	vld [tilespmem:s22+$0xFFFFFFF0];
	v6 =	vadd.f32 v6, v10  }
.Ltmp2:
0x22d: {  	v10 =	vld [tilespmem:s17+$0xFFFFFFF0];
	(pc) =	sbr.rel @p0 .LBB2_6-.Ltmp2, $4  }
0x22e: {  	v14 =	vadd.f32 v9, v12;
	v12 =	vmul.f32 v11, v18;
	v9 =	vld [tilespmem:s22+$0x60]  }
0x22f: {  	v11 =	vld [tilespmem:s17+$0x60]  }
0x230: {  	v16 =	vadd.f32 v12, v17;
	v15 =	vmul.f32 v15, v19;
	v12 =	vld [tilespmem:s22+$0x70]  }
0x231: {  	s22 =	sadd.s32 $0x200, s22;
	v13 =	vld [tilespmem:s17+$0x70]  }
0x232: {  	_ =	sdelay $0x2  }
0x233: {  	v8 =	vmul.f32 v10, v8  }
0x234: {  	v10 =	vadd.f32 v16, v14;
	v9 =	vmul.f32 v11, v9;
	v11 =	vmul.f32 v13, v12  }
0x235: {  	v4 =	vadd.f32 v15, v4;
	v5 =	vadd.f32 v8, v5  }
0x236: {  	v7 =	vadd.f32 v9, v7;
	v6 =	vadd.f32 v11, v6  }
0x237: {  	v8 =	vperm.xlane v10, v0;
	v4 =	vadd.f32 v5, v4  }
0x238: {  	v5 =	vadd.f32 v6, v7  }
0x239: {  	v6 =	vadd.f32 v10, v8;
	v7 =	vperm.xlane v4, v0  }
0x23a: {  	v8 =	vperm.xlane v5, v0  }
0x23b: {  	v9 =	vperm.xlane v6, v1;
	v4 =	vadd.f32 v4, v7  }
0x23c: {  	v5 =	vadd.f32 v5, v8  }
0x23d: {  	v6 =	vadd.f32 v6, v9;
	v7 =	vperm.xlane v4, v1  }
0x23e: {  	s17 =	sadd.s32 $0x104, s18;
	v8 =	vperm.xlane v5, v1  }
0x23f: {  	s22 =	sadd.s32 $0x105, s18;
	v9 =	vmov s17;
	v10 =	vperm.xlane v6, v2;
	v4 =	vadd.f32 v4, v7  }
0x240: {  	v7 =	vand.u32 $0xFFFFFFFC, v9;
	v9 =	vmov s22;
	v5 =	vadd.f32 v5, v8  }
0x241: {  	s23 =	sadd.s32 $0x106, s18;
	v7 =	vbroadcast v7, $0x0;
	v8 =	vand.u32 $0xFFFFFFFD, v9;
	v9 =	vperm.xlane v4, v2  }
0x242: {  	v6 =	vadd.f32 v6, v10;
	v10 =	vmov s23;
	v11 =	vperm.xlane v5, v2  }
0x243: {  	v8 =	vbroadcast v8, $0x0;
	v10 =	vand.u32 $0xFFFFFFFE, v10;
	v4 =	vadd.f32 v4, v9  }
0x244: {  	v9 =	vperm.xlane v6, v3;
	v10 =	vbroadcast v10, $0x0;
	v5 =	vadd.f32 v5, v11  }
0x245: {  	v11 =	vperm.xlane v4, v3  }
0x246: {  	v6 =	vadd.f32 v6, v9;
	v9 =	vperm.xlane v5, v3  }
0x247: {  	v4 =	vadd.f32 v4, v11  }
0x248: {  	[tilespmem:v7+s25+$0x0] =	vst.idx.msk $0x1, v6;
	v5 =	vadd.f32 v5, v9  }
0x249: {  	[tilespmem:v8+s25+$0x0] =	vst.idx.msk $0x1, v4  }
0x24a: {  	[tilespmem:v10+s25+$0x0] =	vst.idx.msk $0x1, v5  }
0x24b: {  	_ =	swait.ge [sflag:s19], $0x4000  }
0x24c: {  	[sflag:s19] =	ssyncset.done $0x0  }
0x24d: {  	[sflag:s19] =	ssyncadd.s32 $0xFFFFC000  }
0x24e: {  	_ =	swait.ge [sflag:s20], $0x4000  }
0x24f: {  	[sflag:s20] =	ssyncset.done $0x0  }
0x250: {  	s24 =	simm.s32 $0x900;
	[sflag:s20] =	ssyncadd.s32 $0xFFFFC000  }
0x251: {  	s17 =	simm.s32 $0x4900;
	v4 =	vld [tilespmem:s24+$0xE0]  }
0x252: {  	v5 =	vld [tilespmem:s17+$0xE0]  }
0x253: {  	v6 =	vld [tilespmem:s24+$0xC0]  }
0x254: {  	v7 =	vld [tilespmem:s17+$0xC0]  }
0x255: {  	v8 =	vld [tilespmem:s24+$0x80]  }
0x256: {  	v9 =	vld [tilespmem:s17+$0x80]  }
0x257: {  	v10 =	vld [tilespmem:s24+$0x90]  }
0x258: {  	v11 =	vld [tilespmem:s17+$0x90]  }
0x259: {  	v12 =	vld [tilespmem:s24+$0xA0]  }
0x25a: {  	v13 =	vld [tilespmem:s17+$0xA0]  }
0x25b: {  	v14 =	vld [tilespmem:s24+$0xB0]  }
0x25c: {  	v15 =	vld [tilespmem:s17+$0xB0]  }
0x25d: {  	v16 =	vld [tilespmem:s24+$0xD0]  }
0x25e: {  	v17 =	vld [tilespmem:s17+$0xD0]  }
0x25f: {  	v18 =	vld [tilespmem:s24+$0xF0]  }
0x260: {  	v19 =	vld [tilespmem:s17+$0xF0]  }
0x261: {  	v20 =	vld [tilespmem:s17+$0xFFFFFF00]  }
0x262: {  	v21 =	vld [tilespmem:s24+$0xFFFFFF10]  }
0x263: {  	v22 =	vld [tilespmem:s17+$0xFFFFFF10]  }
0x264: {  	v23 =	vld [tilespmem:s24+$0xFFFFFF20]  }
0x265: {  	v24 =	vld [tilespmem:s17+$0xFFFFFF20]  }
0x266: {  	v25 =	vld [tilespmem:s24+$0xFFFFFF30]  }
0x267: {  	v26 =	vld [tilespmem:s17+$0xFFFFFF30]  }
0x268: {  	v27 =	vld [tilespmem:s24+$0xFFFFFF80]  }
0x269: {  	v28 =	vld [tilespmem:s17+$0xFFFFFF80]  }
0x26a: {  	v29 =	vld [tilespmem:s24+$0xFFFFFF90]  }
0x26b: {  	v30 =	vld [tilespmem:s17+$0xFFFFFF90]  }
0x26c: {  	v31 =	vld [tilespmem:s24+$0xFFFFFFA0]  }
0x26d: {  	v32 =	vld [tilespmem:s17+$0xFFFFFFA0]  }
0x26e: {  	v33 =	vld [tilespmem:s24+$0xFFFFFFB0]  }
0x26f: {  	v35 =	vld [tilespmem:s17+$0xFFFFFFC0]  }
0x270: {  	v36 =	vld [tilespmem:s24+$0xFFFFFFD0]  }
0x271: {  	v37 =	vld [tilespmem:s24+$0x40];
	v8 =	vmul.f32 v9, v8;
	v9 =	vmul.f32 v11, v10  }
0x272: {  	v39 =	vld [tilespmem:s17+$0x40];
	v11 =	vmul.f32 v13, v12;
	v12 =	vmul.f32 v15, v14  }
0x273: {  	v53 =	vld [tilespmem:s24+$0x50];
	v6 =	vmul.f32 v7, v6  }
0x274: {  	v56 =	vld [tilespmem:s17+$0x50];
	v8 =	vadd.f32 v11, v8;
	v9 =	vadd.f32 v12, v9;
	v11 =	vmul.f32 v17, v16  }
0x275: {  	v58 =	vld [tilespmem:s24+$0xFFFFFF60];
	v4 =	vmul.f32 v5, v4  }
0x276: {  	v60 =	vld [tilespmem:s17+$0xFFFFFF60];
	v6 =	vadd.f32 v6, v8;
	v8 =	vadd.f32 v11, v9;
	v9 =	vmul.f32 v19, v18  }
0x277: {  	v61 =	vld [tilespmem:s24+$0xFFFFFF70]  }
0x278: {  	v62 =	vld [tilespmem:s24+$0xFFFFFFE0];
	v4 =	vadd.f32 v4, v6;
	v6 =	vadd.f32 v9, v8  }
0x279: {  	v10 =	vld [tilespmem:s17+$0xFFFFFFB0]  }
0x27a: {  	v13 =	vld [tilespmem:s24+$0x0];
	v4 =	vadd.f32 v6, v4  }
0x27b: {  	v7 =	vld [tilespmem:s17+$0x0]  }
0x27c: {  	v5 =	vld [tilespmem:s17+$0x10];
	v16 =	vperm.xlane v4, v0  }
0x27d: {  	v14 =	vld [tilespmem:s17+$0x20]  }
0x27e: {  	v15 =	vld [tilespmem:s24+$0xFFFFFF40];
	v4 =	vadd.f32 v4, v16  }
0x27f: {  	v12 =	vld [tilespmem:s24+$0x10]  }
0x280: {  	v17 =	vld [tilespmem:s17+$0xFFFFFF40];
	v34 =	vperm.xlane v4, v1  }
0x281: {  	v11 =	vld [tilespmem:s24+$0x20]  }
0x282: {  	v21 =	vmul.f32 v22, v21;
	v8 =	vld [tilespmem:s24+$0x30];
	v4 =	vadd.f32 v4, v34  }
0x283: {  	v52 =	vmul.f32 v26, v25;
	v54 =	vmul.f32 v28, v27;
	v6 =	vld [tilespmem:s24+$0xFFFFFF00]  }
0x284: {  	v55 =	vmul.f32 v30, v29;
	v9 =	vld [tilespmem:s17+$0x30];
	v38 =	vperm.xlane v4, v2  }
0x285: {  	v57 =	vmul.f32 v32, v31;
	v23 =	vmul.f32 v24, v23;
	v18 =	vld [tilespmem:s24+$0xFFFFFF50]  }
0x286: {  	v63 =	vmul.f32 v60, v58;
	v10 =	vmul.f32 v10, v33;
	v16 =	vld [tilespmem:s17+$0xFFFFFF50];
	v4 =	vadd.f32 v4, v38  }
0x287: {  	v21 =	vadd.f32 v52, v21;
	v19 =	vld [tilespmem:s24+$0xFFFFFFC0];
	v7 =	vmul.f32 v7, v13;
	v5 =	vmul.f32 v5, v12  }
0x288: {  	v26 =	vadd.f32 v57, v54;
	v13 =	vld [tilespmem:s17+$0xFFFFFF70];
	v6 =	vmul.f32 v20, v6;
	v59 =	vperm.xlane v4, v3  }
0x289: {  	v27 =	vadd.f32 v10, v55;
	v8 =	vmul.f32 v9, v8;
	v9 =	vmul.f32 v17, v15;
	v15 =	vld [tilespmem:s17+$0xFFFFFFE0]  }
0x28a: {  	s21 =	simm.s32 $0x183;
	v51 =	vld [tilespmem:s17+$0xFFFFFFD0];
	v6 =	vadd.f32 v23, v6;
	v12 =	vadd.f32 v4, v59;
	v4 =	vmul.f32 v14, v11  }
0x28b: {  	v10 =	vmul.f32 v16, v18;
	v16 =	vadd.f32 v8, v5;
	v14 =	vmov s21  }
0x28c: {  	v8 =	vld [tilespmem:s24+$0xFFFFFFF0];
	v17 =	vadd.f32 v9, v6;
	v7 =	vadd.f32 v4, v7;
	v4 =	vmul.f32 v35, v19  }
0x28d: {  	v6 =	vmul.f32 v39, v37;
	v18 =	vadd.f32 v10, v21;
	v10 =	vld [tilespmem:s17+$0xFFFFFFF0];
	v19 =	vmul.f32 v56, v53  }
0x28e: {  	v13 =	vmul.f32 v13, v61;
	v15 =	vmul.f32 v15, v62;
	v9 =	vld [tilespmem:s24+$0x60];
	v4 =	vadd.f32 v4, v26  }
0x28f: {  	v5 =	vmul.f32 v51, v36;
	v11 =	vld [tilespmem:s17+$0x60];
	v7 =	vadd.f32 v6, v7;
	v6 =	vadd.f32 v19, v16  }
0x290: {  	v16 =	vadd.f32 v13, v18;
	v13 =	vld [tilespmem:s17+$0x70];
	[tilespmem:v14+s25+$0x0] =	vst.idx.msk $0x1, v12;
	v14 =	vadd.f32 v63, v17  }
0x291: {  	s18 =	simm.s32 $0xFFFFFFFC;
	s22 =	simm.s32 $0xB00;
	v5 =	vadd.f32 v5, v27;
	s21 =	simm.s32 $0x0;
	v12 =	vld [tilespmem:s24+$0x70]  }
.LBB2_8:
0x292: {  	v17 =	vld [tilespmem:s22+$0xE0];
	v14 =	vadd.f32 v16, v14;
	v4 =	vadd.f32 v15, v4;
	v8 =	vmul.f32 v10, v8;
	s17 =	sadd.s32 $0x200, s17;
	s23 =	smov.u32 s21  }
0x293: {  	v10 =	vld [tilespmem:s17+$0xE0]  }
0x294: {  	v15 =	vld [tilespmem:s22+$0xC0];
	v16 =	vperm.xlane v14, v0;
	v5 =	vadd.f32 v8, v5;
	v8 =	vmul.f32 v11, v9  }
0x295: {  	v9 =	vld [tilespmem:s17+$0xC0]  }
0x296: {  	v11 =	vld [tilespmem:s22+$0x80];
	v4 =	vadd.f32 v5, v4;
	v5 =	vadd.f32 v8, v7;
	v7 =	vmul.f32 v13, v12  }
0x297: {  	v12 =	vadd.f32 v14, v16;
	v8 =	vld [tilespmem:s17+$0x80]  }
0x298: {  	v13 =	vld [tilespmem:s22+$0x90];
	v14 =	vperm.xlane v4, v0;
	v6 =	vadd.f32 v7, v6  }
0x299: {  	v16 =	vperm.xlane v12, v1;
	v7 =	vld [tilespmem:s17+$0x90]  }
0x29a: {  	v18 =	vld [tilespmem:s22+$0xA0];
	v4 =	vadd.f32 v4, v14;
	v5 =	vadd.f32 v6, v5  }
0x29b: {  	s24 =	sadd.s32 $0x184, s18;
	v12 =	vadd.f32 v12, v16;
	v6 =	vld [tilespmem:s17+$0xA0]  }
0x29c: {  	v16 =	vmov s24;
	s24 =	sadd.s32 $0x185, s18;
	v14 =	vld [tilespmem:s22+$0xB0];
	v19 =	vperm.xlane v4, v1;
	v20 =	vperm.xlane v5, v0  }
0x29d: {  	s21 =	sadd.s32 $0x4, s21;
	v16 =	vand.u32 $0xFFFFFFFC, v16;
	v23 =	vmov s24;
	v22 =	vperm.xlane v12, v2;
	v21 =	vld [tilespmem:s17+$0xB0]  }
0x29e: {  	p0 =	slt.u32 s21, $0x7C;
	v24 =	vld [tilespmem:s22+$0xD0];
	v4 =	vadd.f32 v4, v19;
	v19 =	vand.u32 $0xFFFFFFFD, v23;
	v5 =	vadd.f32 v5, v20  }
0x29f: {  	s24 =	sadd.s32 $0x186, s18;
	s18 =	smov.u32 s23;
	v16 =	vbroadcast v16, $0x0;
	v12 =	vadd.f32 v12, v22;
	v20 =	vld [tilespmem:s17+$0xD0];
	v19 =	vbroadcast v19, $0x0  }
0x2a0: {  	v26 =	vmov s24;
	v22 =	vld [tilespmem:s22+$0xF0];
	v23 =	vperm.xlane v4, v2;
	v25 =	vperm.xlane v5, v1  }
0x2a1: {  	v8 =	vmul.f32 v8, v11;
	v7 =	vmul.f32 v7, v13;
	v13 =	vand.u32 $0xFFFFFFFE, v26;
	v11 =	vld [tilespmem:s17+$0xF0]  }
0x2a2: {  	v6 =	vmul.f32 v6, v18;
	v26 =	vld [tilespmem:s17+$0xFFFFFF00];
	v14 =	vmul.f32 v21, v14;
	v5 =	vadd.f32 v5, v25  }
0x2a3: {  	v9 =	vmul.f32 v9, v15;
	v15 =	vperm.xlane v12, v3;
	v4 =	vadd.f32 v4, v23;
	v18 =	vld [tilespmem:s22+$0xFFFFFF10]  }
0x2a4: {  	v6 =	vadd.f32 v6, v8;
	v21 =	vld [tilespmem:s17+$0xFFFFFF10];
	v7 =	vadd.f32 v14, v7;
	v8 =	vmul.f32 v20, v24  }
0x2a5: {  	v10 =	vmul.f32 v10, v17;
	v12 =	vadd.f32 v12, v15;
	v15 =	vperm.xlane v5, v2;
	v14 =	vld [tilespmem:s22+$0xFFFFFF20]  }
0x2a6: {  	v6 =	vadd.f32 v9, v6;
	v17 =	vld [tilespmem:s17+$0xFFFFFF20];
	v7 =	vadd.f32 v8, v7;
	v8 =	vmul.f32 v11, v22  }
0x2a7: {  	v11 =	vperm.xlane v4, v3;
	v5 =	vadd.f32 v5, v15;
	v9 =	vld [tilespmem:s22+$0xFFFFFF30];
	[tilespmem:v16+s25+$0x0] =	vst.idx.msk $0x1, v12;
	v12 =	vbroadcast v13, $0x0  }
0x2a8: {  	v6 =	vadd.f32 v10, v6;
	v13 =	vld [tilespmem:s17+$0xFFFFFF30];
	v7 =	vadd.f32 v8, v7  }
0x2a9: {  	v4 =	vadd.f32 v4, v11;
	v11 =	vperm.xlane v5, v3;
	v8 =	vmul.f32 v21, v18;
	v10 =	vld [tilespmem:s22+$0xFFFFFF80]  }
0x2aa: {  	v15 =	vld [tilespmem:s17+$0xFFFFFF80];
	v6 =	vadd.f32 v7, v6  }
0x2ab: {  	v7 =	vmul.f32 v17, v14;
	v14 =	vld [tilespmem:s22+$0xFFFFFF90];
	[tilespmem:v19+s25+$0x0] =	vst.idx.msk $0x1, v4;
	v4 =	vadd.f32 v5, v11  }
0x2ac: {  	v5 =	vld [tilespmem:s17+$0xFFFFFF90];
	v11 =	vperm.xlane v6, v0  }
0x2ad: {  	v9 =	vmul.f32 v13, v9;
	v13 =	vld [tilespmem:s22+$0xFFFFFFA0];
	[tilespmem:v12+s25+$0x0] =	vst.idx.msk $0x1, v4  }
0x2ae: {  	v4 =	vld [tilespmem:s17+$0xFFFFFFA0];
	v6 =	vadd.f32 v6, v11  }
0x2af: {  	v8 =	vadd.f32 v9, v8;
	v9 =	vmul.f32 v15, v10;
	v10 =	vld [tilespmem:s22+$0xFFFFFFB0]  }
0x2b0: {  	v11 =	vld [tilespmem:s17+$0xFFFFFFB0];
	v12 =	vperm.xlane v6, v1  }
0x2b1: {  	v5 =	vmul.f32 v5, v14;
	v14 =	vld [tilespmem:s22+$0x0]  }
0x2b2: {  	v15 =	vld [tilespmem:s17+$0x0];
	v6 =	vadd.f32 v6, v12  }
0x2b3: {  	v4 =	vmul.f32 v4, v13;
	v12 =	vld [tilespmem:s22+$0x10]  }
0x2b4: {  	v13 =	vld [tilespmem:s17+$0x10];
	v16 =	vperm.xlane v6, v2  }
0x2b5: {  	v4 =	vadd.f32 v4, v9;
	v9 =	vmul.f32 v11, v10;
	v10 =	vld [tilespmem:s22+$0x20]  }
0x2b6: {  	s23 =	sadd.s32 $0x187, s18;
	v11 =	vld [tilespmem:s17+$0x20];
	v6 =	vadd.f32 v6, v16  }
0x2b7: {  	v5 =	vadd.f32 v9, v5;
	v9 =	vmul.f32 v15, v14;
	v14 =	vld [tilespmem:s22+$0x30];
	v15 =	vmov s23  }
0x2b8: {  	v16 =	vld [tilespmem:s17+$0x30];
	v17 =	vperm.xlane v6, v3  }
0x2b9: {  	v18 =	vld [tilespmem:s22+$0xFFFFFF00];
	v12 =	vmul.f32 v13, v12  }
0x2ba: {  	v13 =	vld [tilespmem:s22+$0xFFFFFF40];
	v6 =	vadd.f32 v6, v17  }
0x2bb: {  	v17 =	vld [tilespmem:s17+$0xFFFFFF40];
	v10 =	vmul.f32 v11, v10  }
0x2bc: {  	v11 =	vld [tilespmem:s22+$0xFFFFFF50];
	[tilespmem:v15+s25+$0x0] =	vst.idx.msk $0x1, v6  }
0x2bd: {  	v6 =	vld [tilespmem:s17+$0xFFFFFF50];
	v9 =	vadd.f32 v10, v9;
	v10 =	vmul.f32 v16, v14  }
0x2be: {  	v14 =	vmul.f32 v26, v18;
	v15 =	vld [tilespmem:s22+$0xFFFFFFC0]  }
0x2bf: {  	v16 =	vld [tilespmem:s17+$0xFFFFFFC0];
	v10 =	vadd.f32 v10, v12  }
0x2c0: {  	v7 =	vadd.f32 v7, v14;
	v12 =	vmul.f32 v17, v13;
	v13 =	vld [tilespmem:s22+$0xFFFFFFD0]  }
0x2c1: {  	v14 =	vld [tilespmem:s17+$0xFFFFFFD0]  }
0x2c2: {  	v12 =	vadd.f32 v12, v7;
	v6 =	vmul.f32 v6, v11;
	v7 =	vld [tilespmem:s22+$0x40]  }
0x2c3: {  	v11 =	vld [tilespmem:s17+$0x40]  }
0x2c4: {  	v17 =	vadd.f32 v6, v8;
	v6 =	vmul.f32 v16, v15;
	v8 =	vld [tilespmem:s22+$0x50]  }
0x2c5: {  	v15 =	vld [tilespmem:s17+$0x50]  }
0x2c6: {  	v16 =	vld [tilespmem:s22+$0xFFFFFF60];
	v4 =	vadd.f32 v6, v4;
	v6 =	vmul.f32 v14, v13  }
0x2c7: {  	v13 =	vld [tilespmem:s17+$0xFFFFFF60]  }
0x2c8: {  	v18 =	vld [tilespmem:s22+$0xFFFFFF70];
	v5 =	vadd.f32 v6, v5;
	v6 =	vmul.f32 v11, v7  }
0x2c9: {  	v11 =	vld [tilespmem:s17+$0xFFFFFF70]  }
0x2ca: {  	v19 =	vld [tilespmem:s22+$0xFFFFFFE0];
	v7 =	vadd.f32 v6, v9;
	v6 =	vmul.f32 v15, v8  }
0x2cb: {  	v15 =	vld [tilespmem:s17+$0xFFFFFFE0]  }
0x2cc: {  	v9 =	vmul.f32 v13, v16;
	v8 =	vld [tilespmem:s22+$0xFFFFFFF0];
	v6 =	vadd.f32 v6, v10  }
.Ltmp3:
0x2cd: {  	v10 =	vld [tilespmem:s17+$0xFFFFFFF0];
	(pc) =	sbr.rel @p0 .LBB2_8-.Ltmp3, $4  }
0x2ce: {  	v14 =	vadd.f32 v9, v12;
	v12 =	vmul.f32 v11, v18;
	v9 =	vld [tilespmem:s22+$0x60]  }
0x2cf: {  	v11 =	vld [tilespmem:s17+$0x60]  }
0x2d0: {  	v16 =	vadd.f32 v12, v17;
	v15 =	vmul.f32 v15, v19;
	v12 =	vld [tilespmem:s22+$0x70]  }
0x2d1: {  	s22 =	sadd.s32 $0x200, s22;
	v13 =	vld [tilespmem:s17+$0x70]  }
0x2d2: {  	_ =	sdelay $0x2  }
0x2d3: {  	v8 =	vmul.f32 v10, v8  }
0x2d4: {  	v10 =	vadd.f32 v16, v14;
	v9 =	vmul.f32 v11, v9;
	v11 =	vmul.f32 v13, v12  }
0x2d5: {  	v4 =	vadd.f32 v15, v4;
	v5 =	vadd.f32 v8, v5  }
0x2d6: {  	v7 =	vadd.f32 v9, v7;
	v6 =	vadd.f32 v11, v6  }
0x2d7: {  	v8 =	vperm.xlane v10, v0;
	v4 =	vadd.f32 v5, v4  }
0x2d8: {  	v5 =	vadd.f32 v6, v7  }
0x2d9: {  	v6 =	vadd.f32 v10, v8;
	v7 =	vperm.xlane v4, v0  }
0x2da: {  	v8 =	vperm.xlane v5, v0  }
0x2db: {  	v9 =	vperm.xlane v6, v1;
	v4 =	vadd.f32 v4, v7  }
0x2dc: {  	v5 =	vadd.f32 v5, v8  }
0x2dd: {  	v6 =	vadd.f32 v6, v9;
	v7 =	vperm.xlane v4, v1  }
0x2de: {  	s17 =	sadd.s32 $0x184, s18;
	v8 =	vperm.xlane v5, v1  }
0x2df: {  	s22 =	sadd.s32 $0x185, s18;
	v9 =	vmov s17;
	v10 =	vperm.xlane v6, v2;
	v4 =	vadd.f32 v4, v7  }
0x2e0: {  	v7 =	vand.u32 $0xFFFFFFFC, v9;
	v9 =	vmov s22;
	v5 =	vadd.f32 v5, v8  }
0x2e1: {  	s23 =	sadd.s32 $0x186, s18;
	v7 =	vbroadcast v7, $0x0;
	v8 =	vand.u32 $0xFFFFFFFD, v9;
	v9 =	vperm.xlane v4, v2  }
0x2e2: {  	v6 =	vadd.f32 v6, v10;
	v10 =	vmov s23;
	v11 =	vperm.xlane v5, v2  }
0x2e3: {  	v8 =	vbroadcast v8, $0x0;
	v10 =	vand.u32 $0xFFFFFFFE, v10;
	v4 =	vadd.f32 v4, v9  }
0x2e4: {  	v9 =	vperm.xlane v6, v3;
	v10 =	vbroadcast v10, $0x0;
	v5 =	vadd.f32 v5, v11  }
0x2e5: {  	v11 =	vperm.xlane v4, v3  }
0x2e6: {  	v6 =	vadd.f32 v6, v9;
	v9 =	vperm.xlane v5, v3  }
0x2e7: {  	v4 =	vadd.f32 v4, v11  }
0x2e8: {  	[tilespmem:v7+s25+$0x0] =	vst.idx.msk $0x1, v6;
	v5 =	vadd.f32 v5, v9  }
0x2e9: {  	[tilespmem:v8+s25+$0x0] =	vst.idx.msk $0x1, v4  }
0x2ea: {  	[tilespmem:v10+s25+$0x0] =	vst.idx.msk $0x1, v5  }
0x2eb: {  	_ =	swait.ge [sflag:s3], $0x200  }
0x2ec: {  	[sflag:s3] =	ssyncset.done $0x0  }
0x2ed: {  	s24 =	simm.s32 $0x420;
	[sflag:s3] =	ssyncadd.s32 $0xFFFFFE00  }
0x2ee: {  	s17 =	simm.s32 $0x620;
	v4 =	vld [tilespmem:s24+$0x10]  }
0x2ef: {  	v5 =	vld [tilespmem:s17+$0x10];
	_ =	sdelay $0x1  }
0x2f0: {  	v6 =	vld [tilespmem:s24+$0xFFFFFFF0]  }
0x2f1: {  	v7 =	vld [tilespmem:s17+$0xFFFFFFF0];
	_ =	sdelay $0x1  }
0x2f2: {  	v11 =	vmul.f32 v5, v4  }
0x2f3: {  	v8 =	vld [tilespmem:s17+$0xFFFFFFE0]  }
0x2f4: {  	v4 =	vld [tilespmem:s24+$0xFFFFFFE0];
	v10 =	vand.u32 $0x7FFFFFFF, v11  }
0x2f5: {  	v9 =	vld [tilespmem:s17+$0x0];
	v6 =	vmul.f32 v7, v6;
	v7 =	vsub.f32 $0.0e+00, v10  }
0x2f6: {  	v5 =	vld [tilespmem:s24+$0x0]  }
0x2f7: {  	v7 =	vmul.f32 $1.442695020e+00, v7  }
0x2f8: {  	v10 =	vand.u32 $0x7FFFFFFF, v6  }
0x2f9: {  	v8 =	vmul.f32 v8, v4;
	v4 =	vsub.f32 $0.0e+00, v10;
	(erf) = vpow2.f32 v7;
	_ =	sdelay $0x1  }
0x2fa: {  	v5 =	vmul.f32 v9, v5;
	v7 =	vand.u32 $0x7FFFFFFF, v8;
	v4 =	vmul.f32 $1.442695020e+00, v4  }
0x2fb: {  	v7 =	vsub.f32 $0.0e+00, v7  }
0x2fc: {  	v9 =	vand.u32 $0x7FFFFFFF, v5;
	(erf) = vpow2.f32 v4  }
0x2fd: {  	v9 =	vsub.f32 $0.0e+00, v9;
	v7 =	vmul.f32 $1.442695020e+00, v7;
	_ =	sdelay $0x1  }
0x2fe: {  	v4 =	vmul.f32 $1.442695020e+00, v9;
	(erf) = vpow2.f32 v7;
	_ =	sdelay $0x1  }
0x2ff: {  	(erf) = vpow2.f32 v4;
	v10 =	vpop (erf)  }
0x300: {  	v4 =	vmul.f32 $1.446112640e-03, v10;
	_ =	sdelay $0x1  }
0x301: {  	v4 =	vadd.f32 $-1.027147470e-02, v4  }
0x302: {  	v15 =	vpop (erf)  }
0x303: {  	v7 =	vmul.f32 $1.446112640e-03, v15;
	v4 =	vmul.f32 v4, v10;
	_ =	sdelay $0x1  }
0x304: {  	v14 =	vpop (erf);
	v7 =	vadd.f32 $-1.027147470e-02, v7  }
0x305: {  	v9 =	vmul.f32 $1.446112640e-03, v14;
	v12 =	vadd.f32 $3.423174470e-02, v4  }
0x306: {  	v7 =	vmul.f32 v7, v15;
	v4 =	vpop (erf)  }
0x307: {  	v9 =	vadd.f32 $-1.027147470e-02, v9;
	v12 =	vmul.f32 v12, v10;
	v13 =	vmul.f32 $1.446112640e-03, v4  }
0x308: {  	v7 =	vadd.f32 $3.423174470e-02, v7  }
0x309: {  	v9 =	vmul.f32 v9, v14;
	v12 =	vadd.f32 $-7.301764940e-02, v12;
	v13 =	vadd.f32 $-1.027147470e-02, v13  }
0x30a: {  	v7 =	vmul.f32 v7, v15  }
0x30b: {  	s21 =	simm.s32 $0x460;
	v9 =	vadd.f32 $3.423174470e-02, v9;
	v12 =	vmul.f32 v12, v10;
	v13 =	vmul.f32 v13, v4  }
0x30c: {  	s18 =	simm.s32 $0x660;
	v16 =	vld [tilespmem:s21+$0x10];
	v7 =	vadd.f32 $-7.301764940e-02, v7  }
0x30d: {  	v17 =	vld [tilespmem:s18+$0x10];
	v9 =	vmul.f32 v9, v14;
	v12 =	vadd.f32 $1.166124640e-01, v12;
	v13 =	vadd.f32 $3.423174470e-02, v13  }
0x30e: {  	v7 =	vmul.f32 v7, v15  }
0x30f: {  	v9 =	vadd.f32 $-7.301764940e-02, v9;
	v12 =	vmul.f32 v12, v10;
	v13 =	vmul.f32 v13, v4  }
0x310: {  	v18 =	vld [tilespmem:s21+$0xFFFFFFF0];
	v19 =	vsub.f32 $0.0e+00, v6;
	v7 =	vadd.f32 $1.166124640e-01, v7  }
0x311: {  	v23 =	vld [tilespmem:s21+$0x0];
	v9 =	vmul.f32 v9, v14;
	v12 =	vadd.f32 $-1.571737970e-01, v12;
	v13 =	vadd.f32 $-7.301764940e-02, v13  }
0x312: {  	v20 =	vsub.f32 $0.0e+00, v5;
	v5 =	vmul.f32 v17, v16;
	v16 =	vld [tilespmem:s18+$0x0];
	v6 =	vmul.f32 v7, v15  }
0x313: {  	v9 =	vadd.f32 $1.166124640e-01, v9;
	v7 =	vmul.f32 v12, v10;
	v12 =	vld [tilespmem:s18+$0xFFFFFFF0];
	v13 =	vmul.f32 v13, v4  }
0x314: {  	v8 =	vsub.f32 $0.0e+00, v8;
	v22 =	vadd.f32 $-1.571737970e-01, v6  }
0x315: {  	v9 =	vmul.f32 v9, v14;
	v7 =	vadd.f32 $1.976391520e-01, v7;
	v13 =	vadd.f32 $1.166124640e-01, v13  }
0x316: {  	v21 =	vld [tilespmem:s18+$0xFFFFFFE0];
	v6 =	vmax.f32 v8, $0.0e+00;
	v17 =	vmul.f32 v22, v15;
	v22 =	vand.u32 $0x7FFFFFFF, v5  }
0x317: {  	v9 =	vadd.f32 $-1.571737970e-01, v9;
	v7 =	vmul.f32 v7, v10;
	v8 =	vmul.f32 v13, v4;
	v13 =	vld [tilespmem:s21+$0xFFFFFFE0]  }
0x318: {  	v16 =	vmul.f32 v16, v23;
	v12 =	vmul.f32 v12, v18;
	v18 =	vsub.f32 $0.0e+00, v22  }
0x319: {  	v9 =	vmul.f32 v9, v14;
	v7 =	vadd.f32 $-2.496172790e-01, v7;
	v8 =	vadd.f32 $-1.571737970e-01, v8  }
0x31a: {  	v17 =	vadd.f32 $1.976391520e-01, v17;
	v22 =	vand.u32 $0x7FFFFFFF, v12;
	v18 =	vmul.f32 $1.442695020e+00, v18  }
0x31b: {  	v9 =	vadd.f32 $1.976391520e-01, v9;
	v7 =	vmul.f32 v7, v10;
	v8 =	vmul.f32 v8, v4  }
0x31c: {  	(erf) = vpow2.f32 v18;
	v13 =	vmul.f32 v21, v13;
	v21 =	vsub.f32 $0.0e+00, v22  }
0x31d: {  	v9 =	vmul.f32 v9, v14;
	v7 =	vadd.f32 $3.332960310e-01, v7;
	v22 =	vand.u32 $0x7FFFFFFF, v16  }
0x31e: {  	v22 =	vsub.f32 $0.0e+00, v22;
	v8 =	vadd.f32 $1.976391520e-01, v8;
	v21 =	vmul.f32 $1.442695020e+00, v21  }
0x31f: {  	v9 =	vadd.f32 $-2.496172790e-01, v9;
	v18 =	vand.u32 $0x7FFFFFFF, v13;
	v7 =	vmul.f32 v7, v10  }
0x320: {  	v18 =	vsub.f32 $0.0e+00, v18;
	(erf) = vpow2.f32 v21;
	v21 =	vmul.f32 $1.442695020e+00, v22  }
0x321: {  	v22 =	vadd.f32 $-4.999980930e-01, v7;
	v7 =	vmax.f32 v19, $0.0e+00;
	v19 =	vmul.f32 v8, v4  }
0x322: {  	v8 =	vmul.f32 v9, v14;
	v18 =	vmul.f32 $1.442695020e+00, v18  }
0x323: {  	v17 =	vmul.f32 v17, v15;
	v9 =	vmul.f32 v22, v10  }
0x324: {  	v11 =	vsub.f32 $0.0e+00, v11;
	(erf) = vpow2.f32 v18;
	v18 =	vadd.f32 $3.332960310e-01, v8  }
0x325: {  	v17 =	vadd.f32 $-2.496172790e-01, v17;
	v19 =	vadd.f32 $-2.496172790e-01, v19;
	(erf) = vpow2.f32 v21  }
0x326: {  	v8 =	vmax.f32 v20, $0.0e+00;
	v20 =	vsub.f32 $0.0e+00, v12;
	v18 =	vmul.f32 v18, v14  }
0x327: {  	v12 =	vsub.f32 $0.0e+00, v16;
	v21 =	vadd.f32 $9.999999400e-01, v9;
	v9 =	vpop (erf)  }
0x328: {  	v16 =	vmul.f32 v19, v4;
	v19 =	vmul.f32 $1.446112640e-03, v9;
	v18 =	vadd.f32 $-4.999980930e-01, v18  }
0x329: {  	v11 =	vmax.f32 v11, $0.0e+00;
	v17 =	vmul.f32 v17, v15;
	v21 =	vmul.f32 v21, v10  }
0x32a: {  	v23 =	vadd.f32 $3.332960310e-01, v16;
	v10 =	vpop (erf);
	v19 =	vadd.f32 $-1.027147470e-02, v19;
	v16 =	vmul.f32 v18, v14  }
0x32b: {  	v17 =	vadd.f32 $3.332960310e-01, v17;
	v21 =	vadd.f32 $0.0e+00, v21;
	v22 =	vmul.f32 $1.446112640e-03, v10  }
0x32c: {  	v13 =	vsub.f32 $0.0e+00, v13;
	v23 =	vmul.f32 v23, v4;
	v18 =	vmul.f32 v19, v9  }
0x32d: {  	v21 =	vadd.f32 v21, v11;
	v19 =	vadd.f32 $-1.027147470e-02, v22;
	v22 =	vmul.f32 v17, v15;
	v11 =	vpop (erf)  }
0x32e: {  	v17 =	vadd.f32 $9.999999400e-01, v16;
	v24 =	vmul.f32 $1.446112640e-03, v11;
	v18 =	vadd.f32 $3.423174470e-02, v18;
	v16 =	vpop (erf)  }
0x32f: {  	v13 =	vmax.f32 v13, $0.0e+00;
	v19 =	vmul.f32 v19, v10;
	v25 =	vmul.f32 $1.446112640e-03, v16  }
0x330: {  	v17 =	vmul.f32 v17, v14;
	v24 =	vadd.f32 $-1.027147470e-02, v24;
	v18 =	vmul.f32 v18, v9  }
0x331: {  	v14 =	vmax.f32 v20, $0.0e+00;
	v19 =	vadd.f32 $3.423174470e-02, v19;
	v20 =	vadd.f32 $-1.027147470e-02, v25  }
0x332: {  	v22 =	vadd.f32 $-4.999980930e-01, v22;
	v24 =	vmul.f32 v24, v11;
	v18 =	vadd.f32 $-7.301764940e-02, v18  }
0x333: {  	v23 =	vadd.f32 $-4.999980930e-01, v23;
	v19 =	vmul.f32 v19, v10;
	v20 =	vmul.f32 v20, v16  }
0x334: {  	v22 =	vmul.f32 v22, v15;
	v24 =	vadd.f32 $3.423174470e-02, v24;
	v18 =	vmul.f32 v18, v9  }
0x335: {  	v23 =	vmul.f32 v23, v4;
	v19 =	vadd.f32 $-7.301764940e-02, v19;
	v63 =	vadd.f32 $3.423174470e-02, v20  }
0x336: {  	v27 =	vadd.f32 $9.999999400e-01, v22;
	v24 =	vmul.f32 v24, v11;
	v26 =	vadd.f32 $1.166124640e-01, v18  }
0x337: {  	v18 =	vadd.f32 $9.999999400e-01, v23;
	v20 =	vmul.f32 v19, v10;
	v22 =	vmul.f32 v63, v16  }
0x338: {  	s22 =	simm.s32 $0x4;
	s23 =	simm.s32 $0x4A0;
	s21 =	simm.s32 $0x660;
	[tilespmem:s17+$0x10] =	vst v21;
	v15 =	vmul.f32 v27, v15;
	v21 =	vadd.f32 $-7.301764940e-02, v24;
	v19 =	vmul.f32 v26, v9  }
.LBB2_10:
0x339: {  	v23 =	vld [tilespmem:s23+$0x10];
	v20 =	vadd.f32 $1.166124640e-01, v20;
	v22 =	vadd.f32 $-7.301764940e-02, v22;
	s18 =	sadd.s32 $0x40, s18;
	v18 =	vmul.f32 v18, v4;
	v4 =	vmovc v16  }
0x33a: {  	s22 =	sadd.s32 $0x4, s22;
	v17 =	vadd.f32 $0.0e+00, v17;
	v16 =	vld [tilespmem:s18+$0x10];
	v21 =	vmul.f32 v21, v11;
	v19 =	vadd.f32 $-1.571737970e-01, v19  }
0x33b: {  	p0 =	slt.u32 s22, $0x1C;
	v15 =	vadd.f32 $0.0e+00, v15;
	v24 =	vld [tilespmem:s18+$0xFFFFFFE0];
	v20 =	vmul.f32 v20, v10;
	v22 =	vmul.f32 v22, v4  }
0x33c: {  	v18 =	vadd.f32 $0.0e+00, v18;
	v25 =	vld [tilespmem:s23+$0xFFFFFFF0];
	v21 =	vadd.f32 $1.166124640e-01, v21;
	v19 =	vmul.f32 v19, v9  }
0x33d: {  	v12 =	vmax.f32 v12, $0.0e+00;
	v26 =	vld [tilespmem:s18+$0xFFFFFFF0];
	v20 =	vadd.f32 $-1.571737970e-01, v20;
	v22 =	vadd.f32 $1.166124640e-01, v22  }
0x33e: {  	v17 =	vadd.f32 v17, v6;
	v6 =	vmovc v13;
	v27 =	vld [tilespmem:s23+$0x0];
	v21 =	vmul.f32 v21, v11;
	v19 =	vadd.f32 $1.976391520e-01, v19  }
0x33f: {  	v15 =	vadd.f32 v15, v7;
	v7 =	vmovc v14;
	v13 =	vld [tilespmem:s18+$0x0];
	v16 =	vmul.f32 v16, v23;
	v22 =	vmul.f32 v22, v4  }
0x340: {  	v20 =	vmul.f32 v20, v10;
	v14 =	vld [tilespmem:s23+$0xFFFFFFE0];
	v21 =	vadd.f32 $-1.571737970e-01, v21;
	v19 =	vmul.f32 v19, v9;
	[tilespmem:s17+$0xFFFFFFE0] =	vst v17  }
0x341: {  	v17 =	vand.u32 $0x7FFFFFFF, v16;
	v22 =	vadd.f32 $-1.571737970e-01, v22;
	[tilespmem:s17+$0xFFFFFFF0] =	vst v15;
	v15 =	vadd.f32 v18, v8;
	v8 =	vmovc v12  }
0x342: {  	v12 =	vmul.f32 v26, v25;
	v17 =	vsub.f32 $0.0e+00, v17;
	v18 =	vadd.f32 $-2.496172790e-01, v19  }
0x343: {  	v20 =	vadd.f32 $1.976391520e-01, v20;
	v19 =	vmul.f32 v21, v11;
	v21 =	vmul.f32 v22, v4;
	[tilespmem:s17+$0x0] =	vst v15;
	s17 =	smov.u32 s21;
	s21 =	smov.u32 s18  }
0x344: {  	v15 =	vand.u32 $0x7FFFFFFF, v12;
	v17 =	vmul.f32 $1.442695020e+00, v17;
	v18 =	vmul.f32 v18, v9  }
0x345: {  	v13 =	vmul.f32 v13, v27;
	v14 =	vmul.f32 v24, v14;
	v15 =	vsub.f32 $0.0e+00, v15  }
0x346: {  	(erf) = vpow2.f32 v17;
	v17 =	vadd.f32 $1.976391520e-01, v19;
	v18 =	vadd.f32 $3.332960310e-01, v18  }
0x347: {  	v22 =	vand.u32 $0x7FFFFFFF, v13;
	v19 =	vand.u32 $0x7FFFFFFF, v14;
	v15 =	vmul.f32 $1.442695020e+00, v15  }
0x348: {  	v22 =	vsub.f32 $0.0e+00, v22;
	v19 =	vsub.f32 $0.0e+00, v19;
	v18 =	vmul.f32 v18, v9  }
0x349: {  	(erf) = vpow2.f32 v15;
	v15 =	vmul.f32 v17, v11;
	v17 =	vadd.f32 $1.976391520e-01, v21  }
0x34a: {  	v21 =	vmul.f32 $1.442695020e+00, v22;
	v19 =	vmul.f32 $1.442695020e+00, v19;
	v18 =	vadd.f32 $-4.999980930e-01, v18  }
0x34b: {  	v20 =	vmul.f32 v20, v10;
	v15 =	vadd.f32 $-2.496172790e-01, v15;
	v17 =	vmul.f32 v17, v4  }
0x34c: {  	v14 =	vsub.f32 $0.0e+00, v14;
	(erf) = vpow2.f32 v19;
	v18 =	vmul.f32 v18, v9  }
0x34d: {  	v19 =	vadd.f32 $-2.496172790e-01, v20;
	(erf) = vpow2.f32 v21;
	v17 =	vadd.f32 $-2.496172790e-01, v17  }
0x34e: {  	v20 =	vsub.f32 $0.0e+00, v12;
	v15 =	vmul.f32 v15, v11;
	v18 =	vadd.f32 $9.999999400e-01, v18  }
0x34f: {  	v12 =	vsub.f32 $0.0e+00, v13;
	v19 =	vmul.f32 v19, v10;
	v13 =	vpop (erf);
	v17 =	vmul.f32 v17, v4  }
0x350: {  	v15 =	vadd.f32 $3.332960310e-01, v15;
	v21 =	vmul.f32 $1.446112640e-03, v13;
	v18 =	vmul.f32 v18, v9;
	v9 =	vmovc v13  }
0x351: {  	v13 =	vmax.f32 v14, $0.0e+00;
	v14 =	vadd.f32 $3.332960310e-01, v19;
	v19 =	vsub.f32 $0.0e+00, v5;
	v5 =	vmovc v16  }
0x352: {  	v15 =	vmul.f32 v15, v11;
	v16 =	vadd.f32 $-1.027147470e-02, v21;
	v23 =	vpop (erf);
	v18 =	vadd.f32 $0.0e+00, v18  }
0x353: {  	v17 =	vadd.f32 $3.332960310e-01, v17;
	v19 =	vmax.f32 v19, $0.0e+00;
	v24 =	vmul.f32 $1.446112640e-03, v23  }
0x354: {  	v22 =	vmul.f32 v14, v10;
	v25 =	vmul.f32 v16, v9;
	v18 =	vadd.f32 v18, v19  }
0x355: {  	v15 =	vadd.f32 $-4.999980930e-01, v15;
	v17 =	vmul.f32 v17, v4;
	v19 =	vadd.f32 $-1.027147470e-02, v24;
	v21 =	vpop (erf)  }
0x356: {  	v14 =	vmax.f32 v20, $0.0e+00;
	v24 =	vmul.f32 $1.446112640e-03, v21;
	v20 =	vadd.f32 $3.423174470e-02, v25;
	v16 =	vpop (erf);
	[tilespmem:s17+$0x10] =	vst v18  }
0x357: {  	v22 =	vadd.f32 $-4.999980930e-01, v22;
	v18 =	vmul.f32 v19, v23;
	v19 =	vmul.f32 $1.446112640e-03, v16  }
0x358: {  	v17 =	vadd.f32 $-4.999980930e-01, v17;
	v24 =	vadd.f32 $-1.027147470e-02, v24;
	v20 =	vmul.f32 v20, v9  }
0x359: {  	v15 =	vmul.f32 v15, v11;
	v18 =	vadd.f32 $3.423174470e-02, v18;
	v19 =	vadd.f32 $-1.027147470e-02, v19  }
0x35a: {  	v22 =	vmul.f32 v22, v10;
	v24 =	vmul.f32 v24, v21;
	v20 =	vadd.f32 $-7.301764940e-02, v20  }
0x35b: {  	v15 =	vadd.f32 $9.999999400e-01, v15;
	v18 =	vmul.f32 v18, v23;
	v19 =	vmul.f32 v19, v16  }
.Ltmp4:
0x35c: {  	v25 =	vmul.f32 v17, v4;
	v24 =	vadd.f32 $3.423174470e-02, v24;
	v20 =	vmul.f32 v20, v9;
	(pc) =	sbr.rel @p0 .LBB2_10-.Ltmp4, $4  }
0x35d: {  	v17 =	vmul.f32 v15, v11;
	v11 =	vmovc v21;
	v18 =	vadd.f32 $-7.301764940e-02, v18;
	v19 =	vadd.f32 $3.423174470e-02, v19  }
0x35e: {  	v26 =	vadd.f32 $9.999999400e-01, v22;
	v15 =	vmul.f32 v24, v11;
	v24 =	vadd.f32 $1.166124640e-01, v20  }
0x35f: {  	v20 =	vmul.f32 v18, v23;
	v22 =	vmul.f32 v19, v16;
	v18 =	vadd.f32 $9.999999400e-01, v25  }
0x360: {  	s23 =	sadd.s32 $0x40, s23;
	v21 =	vadd.f32 $-7.301764940e-02, v15;
	v19 =	vmul.f32 v24, v9;
	v15 =	vmul.f32 v26, v10;
	v10 =	vmovc v23  }
0x361: {  	v22 =	vadd.f32 $-7.301764940e-02, v22  }
0x362: {  	v21 =	vmul.f32 v21, v11  }
0x363: {  	v20 =	vadd.f32 $1.166124640e-01, v20;
	v22 =	vmul.f32 v22, v16  }
0x364: {  	v21 =	vadd.f32 $1.166124640e-01, v21  }
0x365: {  	v19 =	vadd.f32 $-1.571737970e-01, v19;
	v20 =	vmul.f32 v20, v10;
	v22 =	vadd.f32 $1.166124640e-01, v22  }
0x366: {  	v21 =	vmul.f32 v21, v11  }
0x367: {  	v19 =	vmul.f32 v19, v9;
	v20 =	vadd.f32 $-1.571737970e-01, v20;
	v22 =	vmul.f32 v22, v16  }
0x368: {  	v21 =	vadd.f32 $-1.571737970e-01, v21  }
0x369: {  	v19 =	vadd.f32 $1.976391520e-01, v19;
	v20 =	vmul.f32 v20, v10;
	v22 =	vadd.f32 $-1.571737970e-01, v22  }
0x36a: {  	v21 =	vmul.f32 v21, v11  }
0x36b: {  	v19 =	vmul.f32 v19, v9;
	v20 =	vadd.f32 $1.976391520e-01, v20;
	v22 =	vmul.f32 v22, v16  }
0x36c: {  	v21 =	vadd.f32 $1.976391520e-01, v21  }
0x36d: {  	v19 =	vadd.f32 $-2.496172790e-01, v19;
	v20 =	vmul.f32 v20, v10;
	v22 =	vadd.f32 $1.976391520e-01, v22  }
0x36e: {  	v21 =	vmul.f32 v21, v11  }
0x36f: {  	v19 =	vmul.f32 v19, v9;
	v20 =	vadd.f32 $-2.496172790e-01, v20;
	v22 =	vmul.f32 v22, v16  }
0x370: {  	v21 =	vadd.f32 $-2.496172790e-01, v21  }
0x371: {  	v19 =	vadd.f32 $3.332960310e-01, v19;
	v20 =	vmul.f32 v20, v10;
	v22 =	vadd.f32 $-2.496172790e-01, v22  }
0x372: {  	v21 =	vmul.f32 v21, v11  }
0x373: {  	v19 =	vmul.f32 v19, v9;
	v20 =	vadd.f32 $3.332960310e-01, v20;
	v22 =	vmul.f32 v22, v16  }
0x374: {  	v21 =	vadd.f32 $3.332960310e-01, v21  }
0x375: {  	v19 =	vadd.f32 $-4.999980930e-01, v19;
	v20 =	vmul.f32 v20, v10;
	v22 =	vadd.f32 $3.332960310e-01, v22  }
0x376: {  	v17 =	vadd.f32 $0.0e+00, v17;
	v21 =	vmul.f32 v21, v11  }
0x377: {  	v19 =	vmul.f32 v19, v9;
	v20 =	vadd.f32 $-4.999980930e-01, v20;
	v50 =	vmul.f32 v22, v16  }
0x378: {  	v4 =	vmul.f32 v18, v4;
	v5 =	vsub.f32 $0.0e+00, v5;
	v49 =	vadd.f32 $-4.999980930e-01, v21  }
0x379: {  	v19 =	vadd.f32 $9.999999400e-01, v19;
	v20 =	vmul.f32 v20, v10;
	v21 =	vadd.f32 $-4.999980930e-01, v50  }
0x37a: {  	v15 =	vadd.f32 $0.0e+00, v15;
	v4 =	vadd.f32 $0.0e+00, v4;
	v18 =	vmul.f32 v49, v11  }
0x37b: {  	v53 =	vmul.f32 v19, v9;
	v54 =	vadd.f32 $9.999999400e-01, v20;
	v52 =	vmul.f32 v21, v16  }
0x37c: {  	v6 =	vadd.f32 v17, v6;
	v51 =	vadd.f32 $9.999999400e-01, v18  }
0x37d: {  	v57 =	vadd.f32 $0.0e+00, v53;
	v58 =	vmul.f32 v54, v10;
	v56 =	vadd.f32 $9.999999400e-01, v52  }
0x37e: {  	v5 =	vmax.f32 v5, $0.0e+00;
	v4 =	vadd.f32 v4, v8;
	v55 =	vmul.f32 v51, v11  }
0x37f: {  	[tilespmem:s17+$0xFFFFFFE0] =	vst v6;
	v5 =	vadd.f32 v57, v5;
	v61 =	vadd.f32 $0.0e+00, v58;
	v59 =	vmul.f32 v56, v16  }
0x380: {  	v7 =	vadd.f32 v15, v7;
	[tilespmem:s17+$0x0] =	vst v4;
	v60 =	vadd.f32 $0.0e+00, v55  }
0x381: {  	[tilespmem:s21+$0x10] =	vst v5;
	v5 =	vadd.f32 v61, v14;
	v4 =	vadd.f32 $0.0e+00, v59  }
0x382: {  	v63 =	vmax.f32 v12, $0.0e+00;
	[tilespmem:s17+$0xFFFFFFF0] =	vst v7;
	v62 =	vadd.f32 v60, v13  }
0x383: {  	s16 =	sadd.s32 $0x1, s16;
	[tilespmem:s21+$0xFFFFFFF0] =	vst v5;
	v4 =	vadd.f32 v4, v63  }
0x384: {  	p0 =	sne.s32 s16, s11;
	[tilespmem:s21+$0xFFFFFFE0] =	vst v62  }
.Ltmp5:
0x385: {  	[tilespmem:s21+$0x0] =	vst v4;
	(pc) =	sbr.rel @p0 .LBB2_1-.Ltmp5, $4  }
0x386: {  	[hbm4b:s8+s4] =	stream.linear.scatter [tilespmem:s25], [sflag:$0x9], $0x200, $0x38;
	[tilespmem:$0x18800] =	vst v63  }
0x387: {  	_ =	swait.ge [sflag:s10], $0x200  }
0x388: {  	[sflag:s10] =	ssyncset.done $0x0  }
0x389: {  	[sflag:s10] =	ssyncadd.s32 $0xFFFFFE00  }
0x38a: {  	_ =	sfence.sel $0x180000  }
0x38b: {  	[bflag:$0x0] =	sbarrier.arrive $0xFFFF  }
0x38c: {  	_ =	strace $0x90000047  }
0x38d: {  	s0 =	stileid.u32;
	[bflag:$0x2] =	sbarrier.arrive $0xFFFF  }
0x38e: {  	p0 =	sne.s32 s0, $0x0;
	s0 =	rddreg [dreg:$0x6]  }
0x38f: {  	s0 =	sadd.s32 @!p0 $0x100000, s0  }
0x390: {  	[sflag:s0] =	ssyncadd.tile.s32 @!p0 $0x1;
	_ =	shalt  }
.Lfunc_end2:
_tile_overlayer_lowered:
.L_overlay_start_2:
0x391: {  	(tag) =	ssettag $0x2  }
0x392: {  	s0 =	rddreg [dreg:$0x0];
	s2 =	stileid.u32  }
0x393: {  	s1 =	rddreg [dreg:$0x1];
	p0 =	sne.s32 s2, $0x0  }
0x394: {  	s3 =	rddreg [dreg:$0x2];
	[bflag:$0x3] =	sbarrier.arrive $0xFFFF;
	s2 =	simm.s32 @!p0 $0x1C09  }
0x395: {  	[timem:s3], [sflag:s2] =	dma.local @!p0 [hbm:s0], s1  }
0x396: {  	s0 =	simm.s32 @!p0 $0x9  }
0x397: {  	_ =	swait.ge @!p0 [sflag:s0], s1  }
0x398: {  	s1 =	ssub.s32 @!p0 $0x0, s1;
	[sflag:s0] =	ssyncset.done @!p0 $0x0  }
0x399: {  	[sflag:s0] =	ssyncadd.s32 @!p0 s1  }
0x39a: {  	[bflag:$0x3] =	sbarrier.arrive $0xFFFF  }
0x39b: {  	_ =	shalt  }

</sc_bundles>
